<compile_context>
chip_gen: v7x
topology: tpu7x:2x2x1
jax: 0.10.2.dev20260603
libtpu: 0.0.44.dev20260713+nightly
codegen_flags: <defaults>
</compile_context>

<pallas_src>
import jax
import jax.numpy as jnp
from jax import lax
from jax.experimental import pallas as pl
from jax.experimental.pallas import tpu as pltpu
from jax.experimental.pallas import tpu_sc as plsc

N = 10000
E = 320000
F_IN = 128
DIM = 20
C = 2
G = 32
NUM_LAYERS = 3

DP = 24
NC = 2
NS = 16
NW = NC * NS
EPT = 10112
NP = 10112
STRIPE = NP // NS


def _make_sc_agg_fsplit(chunk):
    half = F_IN // NC
    ept2 = NC * EPT
    nch = ept2 // chunk
    tstripe = N // NS

    def body(h_hbm, src_hbm, dst_hbm, zeros_hbm, out_hbm,
             src_v, dst_v, rows_v, table, acc):
        cid = lax.axis_index("c")
        sid = lax.axis_index("s")
        pltpu.sync_copy(zeros_hbm, acc.at[pl.ds(sid * STRIPE, STRIPE)])
        pltpu.sync_copy(
            h_hbm.at[pl.ds(sid * tstripe, tstripe), pl.ds(cid * half, half)],
            table.at[pl.ds(sid * tstripe, tstripe)])
        pltpu.sync_copy(src_hbm.at[sid], src_v)
        pltpu.sync_copy(dst_hbm.at[sid], dst_v)
        plsc.subcore_barrier()

        def step(j, carry):
            pltpu.sync_copy(table.at[src_v.at[j]], rows_v)
            pltpu.sync_copy(rows_v, acc.at[dst_v.at[j]], add=True)
            return carry

        lax.fori_loop(0, nch, step, 0)
        plsc.subcore_barrier()
        pltpu.sync_copy(acc.at[pl.ds(sid * STRIPE, STRIPE)],
                        out_hbm.at[cid, pl.ds(sid * STRIPE, STRIPE)])

    mesh = plsc.VectorSubcoreMesh(core_axis_name="c", subcore_axis_name="s",
                                  num_cores=NC, num_subcores=NS)
    return pl.kernel(
        body,
        out_type=jax.ShapeDtypeStruct((NC, NP, half), jnp.float32),
        mesh=mesh,
        compiler_params=pltpu.CompilerParams(use_tc_tiling_on_sc=False),
        scratch_types=[
            pltpu.VMEM((nch, chunk), jnp.int32),
            pltpu.VMEM((nch, chunk), jnp.int32),
            pltpu.VMEM((chunk, half), jnp.float32),
            pltpu.VMEM_SHARED((N, half), jnp.float32),
            pltpu.VMEM_SHARED((NP, half), jnp.float32),
        ],
    )


def _make_sc_agg_staged(width, chunk):
    nch = EPT // chunk
    tstripe = N // NS

    def body(h_hbm, src_hbm, dst_hbm, zeros_hbm, out_hbm,
             src_v, dst_v, rows_v, table, acc):
        cid = lax.axis_index("c")
        sid = lax.axis_index("s")
        wid = cid * NS + sid
        pltpu.sync_copy(zeros_hbm, acc.at[pl.ds(sid * STRIPE, STRIPE)])
        pltpu.sync_copy(h_hbm.at[pl.ds(sid * tstripe, tstripe)],
                        table.at[pl.ds(sid * tstripe, tstripe)])
        pltpu.sync_copy(src_hbm.at[wid], src_v)
        pltpu.sync_copy(dst_hbm.at[wid], dst_v)
        plsc.subcore_barrier()

        def step(j, carry):
            pltpu.sync_copy(table.at[src_v.at[j]], rows_v)
            pltpu.sync_copy(rows_v, acc.at[dst_v.at[j]], add=True)
            return carry

        lax.fori_loop(0, nch, step, 0)
        plsc.subcore_barrier()
        pltpu.sync_copy(acc.at[pl.ds(sid * STRIPE, STRIPE)],
                        out_hbm.at[cid, pl.ds(sid * STRIPE, STRIPE)])

    mesh = plsc.VectorSubcoreMesh(core_axis_name="c", subcore_axis_name="s",
                                  num_cores=NC, num_subcores=NS)
    return pl.kernel(
        body,
        out_type=jax.ShapeDtypeStruct((NC, NP, width), jnp.float32),
        mesh=mesh,
        compiler_params=pltpu.CompilerParams(use_tc_tiling_on_sc=False),
        scratch_types=[
            pltpu.VMEM((nch, chunk), jnp.int32),
            pltpu.VMEM((nch, chunk), jnp.int32),
            pltpu.VMEM((chunk, width), jnp.float32),
            pltpu.VMEM_SHARED((N, width), jnp.float32),
            pltpu.VMEM_SHARED((NP, width), jnp.float32),
        ],
    )


def _bn(z, g_ref, b_ref):
    mean = jnp.mean(z, axis=0, keepdims=True)
    var = jnp.mean((z - mean) ** 2, axis=0, keepdims=True)
    return (z - mean) / jnp.sqrt(var + 1e-5) * g_ref[...] + b_ref[...]


def _mlp(z, w1_ref, b1_ref, g1_ref, bt1_ref, w2_ref, b2_ref, g2_ref, bt2_ref):
    z = jnp.dot(z, w1_ref[...], preferred_element_type=jnp.float32) + b1_ref[...]
    z = _bn(z, g1_ref, bt1_ref)
    z = jnp.dot(z, w2_ref[...], preferred_element_type=jnp.float32) + b2_ref[...]
    z = _bn(z, g2_ref, bt2_ref)
    return jnp.maximum(z, 0.0)


def _pad_w(w_ref):
    w = w_ref[...]
    r, c = w.shape
    w = jnp.concatenate([w, jnp.zeros((r, DP - c), jnp.float32)], axis=1)
    if r < DP:
        w = jnp.concatenate([w, jnp.zeros((DP - r, DP), jnp.float32)], axis=0)
    return w


def _pad_v(v_ref):
    return jnp.concatenate(
        [v_ref[...], jnp.zeros((1, DP - DIM), jnp.float32)], axis=1)


def _mlp_raw(z, w1_ref, b1_ref, g1_ref, bt1_ref, w2_ref, b2_ref, g2_ref,
             bt2_ref):
    z = jnp.dot(z, _pad_w(w1_ref),
                preferred_element_type=jnp.float32) + _pad_v(b1_ref)
    z = _bn(z, _pad_v(g1_ref), _pad_v(bt1_ref))
    z = jnp.dot(z, _pad_w(w2_ref),
                preferred_element_type=jnp.float32) + _pad_v(b2_ref)
    z = _bn(z, _pad_v(g2_ref), _pad_v(bt2_ref))
    return jnp.maximum(z, 0.0)


def _layer_body(pp_ref, h_ref, w1_ref, b1_ref, g1_ref, bt1_ref,
                w2_ref, b2_ref, g2_ref, bt2_ref, o_ref):
    z = pp_ref[0] + pp_ref[1] + h_ref[...]
    o_ref[...] = _mlp_raw(z, w1_ref, b1_ref, g1_ref, bt1_ref,
                          w2_ref, b2_ref, g2_ref, bt2_ref)


def _layer0_body(pp_ref, h_ref, w1_ref, b1_ref, g1_ref, bt1_ref,
                 w2_ref, b2_ref, g2_ref, bt2_ref, o_ref):
    agg = jnp.concatenate([pp_ref[0], pp_ref[1]], axis=1)
    z = agg + h_ref[...]
    o_ref[...] = _mlp_raw(z, w1_ref, b1_ref, g1_ref, bt1_ref,
                          w2_ref, b2_ref, g2_ref, bt2_ref)


def _final_body(pp_ref, h_ref, w1_ref, b1_ref, g1_ref, bt1_ref,
                w2_ref, b2_ref, g2_ref, bt2_ref,
                nw_ref, batch_ref, fcw_ref, fcb_ref,
                emb_ref, ge_ref, lg_ref):
    z = pp_ref[0] + pp_ref[1] + h_ref[...]
    h = _mlp_raw(z, w1_ref, b1_ref, g1_ref, bt1_ref,
                 w2_ref, b2_ref, g2_ref, bt2_ref)
    emb_ref[...] = h
    gids = lax.broadcasted_iota(jnp.int32, (N, G), 1)
    mask = (batch_ref[...] == gids).astype(jnp.float32)
    wg = mask * nw_ref[...]
    ge = lax.dot_general(wg, h, (((0,), (0,)), ((), ())),
                         preferred_element_type=jnp.float32,
                         precision=lax.Precision.HIGHEST)
    ge_ref[...] = ge
    fcw = jnp.concatenate(
        [fcw_ref[...], jnp.zeros((DIM, DP - C), jnp.float32)], axis=1)
    fcw = jnp.concatenate([fcw, jnp.zeros((DP - DIM, DP), jnp.float32)],
                          axis=0)
    fcb = jnp.concatenate(
        [fcb_ref[...], jnp.zeros((1, DP - C), jnp.float32)], axis=1)
    lg_ref[...] = jnp.dot(ge, fcw,
                          preferred_element_type=jnp.float32) + fcb


def _pad2(a, rows, cols):
    return jnp.zeros((rows, cols), jnp.float32).at[:a.shape[0], :a.shape[1]].set(a)


def _pad_row(v, cols):
    return jnp.zeros((1, cols), jnp.float32).at[0, :v.shape[0]].set(v)


def kernel(x, edge_index, batch, node_weight, params):
    npad = NW * EPT - E
    src = jnp.concatenate([edge_index[0], jnp.zeros((npad,), jnp.int32)])
    trash = N + (jnp.arange(npad, dtype=jnp.int32) % (NP - N))
    dst = jnp.concatenate([edge_index[1], trash])
    src_tw = src.reshape(NS, NC * EPT // 128, 128)
    dst_tw = dst.reshape(NS, NC * EPT // 128, 128)
    src_tn = src.reshape(NW, EPT // 128, 128)
    dst_tn = dst.reshape(NW, EPT // 128, 128)
    zeros_half = jnp.zeros((STRIPE, F_IN // NC), jnp.float32)
    zeros_nar = jnp.zeros((STRIPE, DP), jnp.float32)

    lp = [params["layer%d" % i] for i in range(NUM_LAYERS)]

    sc_agg_wide = _make_sc_agg_fsplit(128)
    sc_agg_nar = _make_sc_agg_staged(DP, 128)

    def pspec(w):
        return pl.BlockSpec((NC, N, w), lambda i: (0, 0, 0))

    def row(v):
        return v.reshape(1, -1)

    h = x
    for i in range(NUM_LAYERS):
        p = lp[i]
        if i == 0:
            parts = sc_agg_wide(h, src_tw, dst_tw, zeros_half)
            pw = F_IN // NC
        else:
            parts = sc_agg_nar(h, src_tn, dst_tn, zeros_nar)
            pw = DP
        args = (parts, h, p["W1"], row(p["b1"]), row(p["g1"]), row(p["bt1"]),
                p["W2"], row(p["b2"]), row(p["g2"]), row(p["bt2"]))
        nargs = len(args)
        in_specs = [pspec(pw)] + [
            pl.BlockSpec(a.shape, lambda i, nd=a.ndim: (0,) * nd)
            for a in args[1:]]
        if i < NUM_LAYERS - 1:
            h = pl.pallas_call(
                _layer0_body if i == 0 else _layer_body,
                grid=(1,),
                in_specs=in_specs,
                out_specs=pl.BlockSpec((N, DP), lambda i: (0, 0)),
                out_shape=jax.ShapeDtypeStruct((N, DP), jnp.float32),
            )(*args)
        else:
            extra = (node_weight.reshape(N, 1), batch.reshape(N, 1),
                     params["fc_W"], row(params["fc_b"]))
            in_specs += [pl.BlockSpec(a.shape, lambda i, nd=a.ndim: (0,) * nd)
                         for a in extra]
            emb, ge, lg = pl.pallas_call(
                _final_body,
                grid=(1,),
                in_specs=in_specs,
                out_specs=[pl.BlockSpec((N, DP), lambda i: (0, 0)),
                           pl.BlockSpec((G, DP), lambda i: (0, 0)),
                           pl.BlockSpec((G, DP), lambda i: (0, 0))],
                out_shape=[
                    jax.ShapeDtypeStruct((N, DP), jnp.float32),
                    jax.ShapeDtypeStruct((G, DP), jnp.float32),
                    jax.ShapeDtypeStruct((G, DP), jnp.float32),
                ],
            )(*args, *extra)

    node_emb = emb[:, :DIM]
    graph_emb = ge[:, :DIM]
    logits = lg[:, :C]
    return node_emb, graph_emb, logits

# --- scband reference (transcript-rebuilt; emitter-appended) ---
"""Pipeline reference for scband-gibgnn-59863254171699 (READ-ONLY COPY).

The authoritative reference and input builder live on the scoring server;
editing this copy changes nothing except your own understanding.
"""

import jax, jax.numpy as jnp
import numpy as np

N = 10000
E = 320000
F_IN = 128
DIM = 20
C = 2
G = 32
NUM_LAYERS = 3


def _bn(x, gamma, beta):
    # torch.nn.BatchNorm1d in training mode: batch statistics, biased variance
    mean = jnp.mean(x, axis=0)
    var = jnp.var(x, axis=0)
    return (x - mean) / jnp.sqrt(var + 1e-5) * gamma + beta


def _forward(x, node_weight, params, src, dst, batch):
    h = x
    for i in range(NUM_LAYERS):
        p = params['layer%d' % i]
        # GIN message passing: sum_{j in N(i)} x_j  (scatter-add over edges)
        agg = jax.ops.segment_sum(h[src], dst, num_segments=N)
        # eps buffer initialized to 0.0 and not trainable (train_eps=False)
        out = agg + (1.0 + 0.0) * h
        # MLP: Linear -> BatchNorm1d -> Linear -> BatchNorm1d
        out = out @ p['W1'] + p['b1']
        out = _bn(out, p['g1'], p['bt1'])
        out = out @ p['W2'] + p['b2']
        out = _bn(out, p['g2'], p['bt2'])
        # GIBGNN outer loop: bn (inside GINWrapper here) then relu; dropout p=0 is a no-op
        h = jax.nn.relu(out)
    node_emb = h
    # global_add_pool over graphs, weighted by node_weight
    graph_emb = jax.ops.segment_sum(node_emb * node_weight[:, None], batch, num_segments=G)
    logits = graph_emb @ params['fc_W'] + params['fc_b']
    return node_emb, graph_emb, logits


def setup_inputs(seed: int = 0) -> dict:
    key = jax.random.key(seed)
    ks = jax.random.split(key, 8)
    x = jax.random.normal(ks[0], (N, F_IN), dtype=jnp.float32)
    edge_index = jax.random.randint(ks[1], (2, E), 0, N, dtype=jnp.int32)
    batch = jnp.sort(jax.random.randint(ks[2], (N,), 0, G, dtype=jnp.int32))
    node_weight = jax.random.uniform(ks[3], (N,), dtype=jnp.float32)
    params = {}
    kp = ks[4]
    for i in range(NUM_LAYERS):
        in_d = F_IN if i == 0 else DIM
        kp, k1, k2 = jax.random.split(kp, 3)
        params['layer%d' % i] = {
            'W1': (jax.random.normal(k1, (in_d, DIM), dtype=jnp.float32) / np.sqrt(in_d)).astype(jnp.float32),
            'b1': jnp.zeros((DIM,), dtype=jnp.float32),
            'g1': jnp.ones((DIM,), dtype=jnp.float32),
            'bt1': jnp.zeros((DIM,), dtype=jnp.float32),
            'W2': (jax.random.normal(k2, (DIM, DIM), dtype=jnp.float32) / np.sqrt(DIM)).astype(jnp.float32),
            'b2': jnp.zeros((DIM,), dtype=jnp.float32),
            'g2': jnp.ones((DIM,), dtype=jnp.float32),
            'bt2': jnp.zeros((DIM,), dtype=jnp.float32),
        }
    kp, kf = jax.random.split(kp)
    params['fc_W'] = (jax.random.normal(kf, (DIM, C), dtype=jnp.float32) / np.sqrt(DIM)).astype(jnp.float32)
    params['fc_b'] = jnp.zeros((C,), dtype=jnp.float32)
    return {'x': x, 'edge_index': edge_index, 'batch': batch, 'node_weight': node_weight, 'params': params}


def reference(x, edge_index, batch, node_weight, params):
    src = edge_index[0]
    dst = edge_index[1]
    return _forward(x, node_weight, params, src, dst, batch)

if __name__ == "__main__":
    import jax
    _d = setup_inputs()
    print(jax.jit(kernel)(*tuple(_d.values())))

</pallas_src>

<mosaic_0001>
#map = affine_map<(d0, d1) -> (0, 0)>
#map1 = affine_map<(d0, d1) -> (0, 0, 0)>
module attributes {stable_mosaic.version = 14 : i64} {
  func.func @body(%arg0: i32, %arg1: i32, %arg2: memref<10000x128xf32, #tpu.memory_space<hbm>>, %arg3: memref<16x158x128xi32, #tpu.memory_space<hbm>>, %arg4: memref<16x158x128xi32, #tpu.memory_space<hbm>>, %arg5: memref<632x64xf32, #tpu.memory_space<hbm>>, %arg6: memref<2x10112x64xf32, #tpu.memory_space<hbm>>, %arg7: memref<158x128xi32, #tpu.memory_space<vmem>>, %arg8: memref<158x128xi32, #tpu.memory_space<vmem>>, %arg9: memref<128x64xf32, #tpu.memory_space<vmem>>, %arg10: memref<10000x64xf32, #tpu.memory_space<vmem_shared>>, %arg11: memref<10112x64xf32, #tpu.memory_space<vmem_shared>>) attributes {dimension_semantics = [#tpu.dimension_semantics<core_parallel>, #tpu.dimension_semantics<subcore_parallel>], iteration_bounds = array<i64: 2, 16>, scalar_prefetch = 0 : i64, scratch_operands = 5 : i64, tpu.core_type = #tpu.core_type<sc_vector_subcore>, window_params = [{transform_indices = #map}, {transform_indices = #map1}, {transform_indices = #map1}, {transform_indices = #map}, {transform_indices = #map1}]} {
    %mul3A = arith.constant 632 : i32
    %mul3A_0 = arith.muli %arg1, %mul3A : i32
    "tpu.region"() ({
      %run_scoped3A = tpu.sem_alloc : memref<!tpu.dma_semaphore, #tpu.memory_space<semaphore_mem>>
      %dma_start3A = arith.constant 0 : i32
      %dma_start3A_17 = tpu.memref_slice %arg11[%mul3A_0, %dma_start3A] : memref<10112x64xf32, #tpu.memory_space<vmem_shared>> -> memref<632x64xf32, #tpu.memory_space<vmem_shared>>
      tpu.enqueue_dma source(%arg5 : memref<632x64xf32, #tpu.memory_space<hbm>>) target(%dma_start3A_17 : memref<632x64xf32, #tpu.memory_space<vmem_shared>>) target_semaphore(%run_scoped3A : memref<!tpu.dma_semaphore, #tpu.memory_space<semaphore_mem>>)
      %dma_wait3A = arith.constant 0 : i32
      %dma_wait3A_18 = tpu.memref_slice %arg11[%mul3A_0, %dma_wait3A] : memref<10112x64xf32, #tpu.memory_space<vmem_shared>> -> memref<632x64xf32, #tpu.memory_space<vmem_shared>>
      tpu.wait_dma2 semaphore(%run_scoped3A : memref<!tpu.dma_semaphore, #tpu.memory_space<semaphore_mem>>) src(%arg5 : memref<632x64xf32, #tpu.memory_space<hbm>>) dst(%dma_wait3A_18 : memref<632x64xf32, #tpu.memory_space<vmem_shared>>)
      tpu.yield
    }) : () -> ()
    %mul3A_1 = arith.constant 625 : i32
    %mul3A_2 = arith.muli %arg1, %mul3A_1 : i32
    %mul3A_3 = arith.constant 64 : i32
    %mul3A_4 = arith.muli %arg0, %mul3A_3 : i32
    %mul3A_5 = arith.constant 625 : i32
    %mul3A_6 = arith.muli %arg1, %mul3A_5 : i32
    "tpu.region"() ({
      %run_scoped3A = tpu.sem_alloc : memref<!tpu.dma_semaphore, #tpu.memory_space<semaphore_mem>>
      %dma_start3A = arith.constant 0 : i32
      %dma_start3A_17 = tpu.memref_slice %arg10[%mul3A_6, %dma_start3A] : memref<10000x64xf32, #tpu.memory_space<vmem_shared>> -> memref<625x64xf32, #tpu.memory_space<vmem_shared>>
      %dma_start3A_18 = tpu.memref_slice %arg2[%mul3A_2, %mul3A_4] : memref<10000x128xf32, #tpu.memory_space<hbm>> -> memref<625x64xf32, #tpu.memory_space<hbm>>
      tpu.enqueue_dma source(%dma_start3A_18 : memref<625x64xf32, #tpu.memory_space<hbm>>) target(%dma_start3A_17 : memref<625x64xf32, #tpu.memory_space<vmem_shared>>) target_semaphore(%run_scoped3A : memref<!tpu.dma_semaphore, #tpu.memory_space<semaphore_mem>>)
      %dma_wait3A = arith.constant 0 : i32
      %dma_wait3A_19 = tpu.memref_slice %arg10[%mul3A_6, %dma_wait3A] : memref<10000x64xf32, #tpu.memory_space<vmem_shared>> -> memref<625x64xf32, #tpu.memory_space<vmem_shared>>
      %dma_wait3A_20 = tpu.memref_slice %arg2[%mul3A_2, %mul3A_4] : memref<10000x128xf32, #tpu.memory_space<hbm>> -> memref<625x64xf32, #tpu.memory_space<hbm>>
      tpu.wait_dma2 semaphore(%run_scoped3A : memref<!tpu.dma_semaphore, #tpu.memory_space<semaphore_mem>>) src(%dma_wait3A_20 : memref<625x64xf32, #tpu.memory_space<hbm>>) dst(%dma_wait3A_19 : memref<625x64xf32, #tpu.memory_space<vmem_shared>>)
      tpu.yield
    }) : () -> ()
    "tpu.region"() ({
      %run_scoped3A = tpu.sem_alloc : memref<!tpu.dma_semaphore, #tpu.memory_space<semaphore_mem>>
      %dma_start3A = arith.constant 0 : i32
      %dma_start3A_17 = arith.constant 0 : i32
      %dma_start3A_18 = tpu.memref_slice %arg3[%arg1, %dma_start3A, %dma_start3A_17] : memref<16x158x128xi32, #tpu.memory_space<hbm>> -> memref<1x158x128xi32, #tpu.memory_space<hbm>>
      %dma_start3A_19 = tpu.memref_squeeze %dma_start3A_18 : memref<1x158x128xi32, #tpu.memory_space<hbm>> -> memref<158x128xi32, #tpu.memory_space<hbm>>
      %dma_start3A_20 = arith.constant 0 : i32
      %dma_start3A_21 = arith.constant 0 : i32
      %dma_start3A_22 = tpu.memref_slice %arg3[%arg1, %dma_start3A_20, %dma_start3A_21] : memref<16x158x128xi32, #tpu.memory_space<hbm>> -> memref<1x158x128xi32, #tpu.memory_space<hbm>>
      %dma_start3A_23 = tpu.memref_squeeze %dma_start3A_22 : memref<1x158x128xi32, #tpu.memory_space<hbm>> -> memref<158x128xi32, #tpu.memory_space<hbm>>
      tpu.enqueue_dma source(%dma_start3A_23 : memref<158x128xi32, #tpu.memory_space<hbm>>) target(%arg7 : memref<158x128xi32, #tpu.memory_space<vmem>>) target_semaphore(%run_scoped3A : memref<!tpu.dma_semaphore, #tpu.memory_space<semaphore_mem>>)
      %dma_wait3A = arith.constant 0 : i32
      %dma_wait3A_24 = arith.constant 0 : i32
      %dma_wait3A_25 = tpu.memref_slice %arg3[%arg1, %dma_wait3A, %dma_wait3A_24] : memref<16x158x128xi32, #tpu.memory_space<hbm>> -> memref<1x158x128xi32, #tpu.memory_space<hbm>>
      %dma_wait3A_26 = tpu.memref_squeeze %dma_wait3A_25 : memref<1x158x128xi32, #tpu.memory_space<hbm>> -> memref<158x128xi32, #tpu.memory_space<hbm>>
      %dma_wait3A_27 = arith.constant 0 : i32
      %dma_wait3A_28 = arith.constant 0 : i32
      %dma_wait3A_29 = tpu.memref_slice %arg3[%arg1, %dma_wait3A_27, %dma_wait3A_28] : memref<16x158x128xi32, #tpu.memory_space<hbm>> -> memref<1x158x128xi32, #tpu.memory_space<hbm>>
      %dma_wait3A_30 = tpu.memref_squeeze %dma_wait3A_29 : memref<1x158x128xi32, #tpu.memory_space<hbm>> -> memref<158x128xi32, #tpu.memory_space<hbm>>
      tpu.wait_dma2 semaphore(%run_scoped3A : memref<!tpu.dma_semaphore, #tpu.memory_space<semaphore_mem>>) src(%dma_wait3A_30 : memref<158x128xi32, #tpu.memory_space<hbm>>) dst(%arg7 : memref<158x128xi32, #tpu.memory_space<vmem>>)
      tpu.yield
    }) : () -> ()
    "tpu.region"() ({
      %run_scoped3A = tpu.sem_alloc : memref<!tpu.dma_semaphore, #tpu.memory_space<semaphore_mem>>
      %dma_start3A = arith.constant 0 : i32
      %dma_start3A_17 = arith.constant 0 : i32
      %dma_start3A_18 = tpu.memref_slice %arg4[%arg1, %dma_start3A, %dma_start3A_17] : memref<16x158x128xi32, #tpu.memory_space<hbm>> -> memref<1x158x128xi32, #tpu.memory_space<hbm>>
      %dma_start3A_19 = tpu.memref_squeeze %dma_start3A_18 : memref<1x158x128xi32, #tpu.memory_space<hbm>> -> memref<158x128xi32, #tpu.memory_space<hbm>>
      %dma_start3A_20 = arith.constant 0 : i32
      %dma_start3A_21 = arith.constant 0 : i32
      %dma_start3A_22 = tpu.memref_slice %arg4[%arg1, %dma_start3A_20, %dma_start3A_21] : memref<16x158x128xi32, #tpu.memory_space<hbm>> -> memref<1x158x128xi32, #tpu.memory_space<hbm>>
      %dma_start3A_23 = tpu.memref_squeeze %dma_start3A_22 : memref<1x158x128xi32, #tpu.memory_space<hbm>> -> memref<158x128xi32, #tpu.memory_space<hbm>>
      tpu.enqueue_dma source(%dma_start3A_23 : memref<158x128xi32, #tpu.memory_space<hbm>>) target(%arg8 : memref<158x128xi32, #tpu.memory_space<vmem>>) target_semaphore(%run_scoped3A : memref<!tpu.dma_semaphore, #tpu.memory_space<semaphore_mem>>)
      %dma_wait3A = arith.constant 0 : i32
      %dma_wait3A_24 = arith.constant 0 : i32
      %dma_wait3A_25 = tpu.memref_slice %arg4[%arg1, %dma_wait3A, %dma_wait3A_24] : memref<16x158x128xi32, #tpu.memory_space<hbm>> -> memref<1x158x128xi32, #tpu.memory_space<hbm>>
      %dma_wait3A_26 = tpu.memref_squeeze %dma_wait3A_25 : memref<1x158x128xi32, #tpu.memory_space<hbm>> -> memref<158x128xi32, #tpu.memory_space<hbm>>
      %dma_wait3A_27 = arith.constant 0 : i32
      %dma_wait3A_28 = arith.constant 0 : i32
      %dma_wait3A_29 = tpu.memref_slice %arg4[%arg1, %dma_wait3A_27, %dma_wait3A_28] : memref<16x158x128xi32, #tpu.memory_space<hbm>> -> memref<1x158x128xi32, #tpu.memory_space<hbm>>
      %dma_wait3A_30 = tpu.memref_squeeze %dma_wait3A_29 : memref<1x158x128xi32, #tpu.memory_space<hbm>> -> memref<158x128xi32, #tpu.memory_space<hbm>>
      tpu.wait_dma2 semaphore(%run_scoped3A : memref<!tpu.dma_semaphore, #tpu.memory_space<semaphore_mem>>) src(%dma_wait3A_30 : memref<158x128xi32, #tpu.memory_space<hbm>>) dst(%arg8 : memref<158x128xi32, #tpu.memory_space<vmem>>)
      tpu.yield
    }) : () -> ()
    %barrier3A = arith.constant 0 : index
    tpu.barrier barrier_id(%barrier3A)
    %scan3A = arith.constant 0 : i32
    %scan3A_7 = arith.constant 0 : i32
    %scan3A_8 = arith.constant 158 : i32
    %scan3A_9 = arith.addi %scan3A_7, %scan3A_8 : i32
    %scan3A_10 = arith.constant 1 : i32
    scf.for %scan3A_17 = %scan3A_7 to %scan3A_9 step %scan3A_10  : i32 {
      "tpu.region"() ({
        %run_scoped3A = tpu.sem_alloc : memref<!tpu.dma_semaphore, #tpu.memory_space<semaphore_mem>>
        %dma_start3A = arith.constant 0 : i32
        %dma_start3A_18 = tpu.memref_slice %arg7[%scan3A_17, %dma_start3A] : memref<158x128xi32, #tpu.memory_space<vmem>> -> memref<1x128xi32, #tpu.memory_space<vmem>>
        %dma_start3A_19 = tpu.memref_squeeze %dma_start3A_18 : memref<1x128xi32, #tpu.memory_space<vmem>> -> memref<128xi32, #tpu.memory_space<vmem>>
        %dma_start3A_20 = arith.constant 0 : i32
        %dma_start3A_21 = arith.constant 0 : i32
        %dma_start3A_22 = tpu.memref_slice %arg10[%dma_start3A_20, %dma_start3A_21] : memref<10000x64xf32, #tpu.memory_space<vmem_shared>> -> memref<10000x64xf32, #tpu.memory_space<vmem_shared>>
        tpu.enqueue_indirect_dma source(%dma_start3A_22 : memref<10000x64xf32, #tpu.memory_space<vmem_shared>>) target(%arg9 : memref<128x64xf32, #tpu.memory_space<vmem>>) offsets(%dma_start3A_19 : memref<128xi32, #tpu.memory_space<vmem>>) semaphore(%run_scoped3A : memref<!tpu.dma_semaphore, #tpu.memory_space<semaphore_mem>>)
        %dma_wait3A = arith.constant 0 : i32
        %dma_wait3A_23 = tpu.memref_slice %arg7[%scan3A_17, %dma_wait3A] : memref<158x128xi32, #tpu.memory_space<vmem>> -> memref<1x128xi32, #tpu.memory_space<vmem>>
        %dma_wait3A_24 = tpu.memref_squeeze %dma_wait3A_23 : memref<1x128xi32, #tpu.memory_space<vmem>> -> memref<128xi32, #tpu.memory_space<vmem>>
        %dma_wait3A_25 = arith.constant 0 : i32
        %dma_wait3A_26 = arith.constant 0 : i32
        %dma_wait3A_27 = tpu.memref_slice %arg10[%dma_wait3A_25, %dma_wait3A_26] : memref<10000x64xf32, #tpu.memory_space<vmem_shared>> -> memref<10000x64xf32, #tpu.memory_space<vmem_shared>>
        tpu.wait_indirect_dma semaphore(%run_scoped3A : memref<!tpu.dma_semaphore, #tpu.memory_space<semaphore_mem>>) src(%dma_wait3A_27 : memref<10000x64xf32, #tpu.memory_space<vmem_shared>>) dst(%arg9 : memref<128x64xf32, #tpu.memory_space<vmem>>)
        tpu.yield
      }) : () -> ()
      "tpu.region"() ({
        %run_scoped3A = tpu.sem_alloc : memref<!tpu.dma_semaphore, #tpu.memory_space<semaphore_mem>>
        %dma_start3A = arith.constant 0 : i32
        %dma_start3A_18 = tpu.memref_slice %arg8[%scan3A_17, %dma_start3A] : memref<158x128xi32, #tpu.memory_space<vmem>> -> memref<1x128xi32, #tpu.memory_space<vmem>>
        %dma_start3A_19 = tpu.memref_squeeze %dma_start3A_18 : memref<1x128xi32, #tpu.memory_space<vmem>> -> memref<128xi32, #tpu.memory_space<vmem>>
        %dma_start3A_20 = arith.constant 0 : i32
        %dma_start3A_21 = arith.constant 0 : i32
        %dma_start3A_22 = tpu.memref_slice %arg11[%dma_start3A_20, %dma_start3A_21] : memref<10112x64xf32, #tpu.memory_space<vmem_shared>> -> memref<10112x64xf32, #tpu.memory_space<vmem_shared>>
        tpu.enqueue_indirect_dma source(%arg9 : memref<128x64xf32, #tpu.memory_space<vmem>>) target(%dma_start3A_22 : memref<10112x64xf32, #tpu.memory_space<vmem_shared>>) offsets(%dma_start3A_19 : memref<128xi32, #tpu.memory_space<vmem>>) semaphore(%run_scoped3A : memref<!tpu.dma_semaphore, #tpu.memory_space<semaphore_mem>>) {add = true}
        %dma_wait3A = arith.constant 0 : i32
        %dma_wait3A_23 = tpu.memref_slice %arg8[%scan3A_17, %dma_wait3A] : memref<158x128xi32, #tpu.memory_space<vmem>> -> memref<1x128xi32, #tpu.memory_space<vmem>>
        %dma_wait3A_24 = tpu.memref_squeeze %dma_wait3A_23 : memref<1x128xi32, #tpu.memory_space<vmem>> -> memref<128xi32, #tpu.memory_space<vmem>>
        %dma_wait3A_25 = arith.constant 0 : i32
        %dma_wait3A_26 = arith.constant 0 : i32
        %dma_wait3A_27 = tpu.memref_slice %arg11[%dma_wait3A_25, %dma_wait3A_26] : memref<10112x64xf32, #tpu.memory_space<vmem_shared>> -> memref<10112x64xf32, #tpu.memory_space<vmem_shared>>
        tpu.wait_indirect_dma semaphore(%run_scoped3A : memref<!tpu.dma_semaphore, #tpu.memory_space<semaphore_mem>>) src(%arg9 : memref<128x64xf32, #tpu.memory_space<vmem>>) dst(%dma_wait3A_27 : memref<10112x64xf32, #tpu.memory_space<vmem_shared>>)
        tpu.yield
      }) : () -> ()
    }
    %scan3A_11 = arith.constant 158 : i32
    %barrier3A_12 = arith.constant 0 : index
    tpu.barrier barrier_id(%barrier3A_12)
    %mul3A_13 = arith.constant 632 : i32
    %mul3A_14 = arith.muli %arg1, %mul3A_13 : i32
    %mul3A_15 = arith.constant 632 : i32
    %mul3A_16 = arith.muli %arg1, %mul3A_15 : i32
    "tpu.region"() ({
      %run_scoped3A = tpu.sem_alloc : memref<!tpu.dma_semaphore, #tpu.memory_space<semaphore_mem>>
      %dma_start3A = arith.constant 0 : i32
      %dma_start3A_17 = tpu.memref_slice %arg6[%arg0, %mul3A_16, %dma_start3A] : memref<2x10112x64xf32, #tpu.memory_space<hbm>> -> memref<1x632x64xf32, #tpu.memory_space<hbm>>
      %dma_start3A_18 = tpu.memref_squeeze %dma_start3A_17 : memref<1x632x64xf32, #tpu.memory_space<hbm>> -> memref<632x64xf32, #tpu.memory_space<hbm>>
      %dma_start3A_19 = arith.constant 0 : i32
      %dma_start3A_20 = tpu.memref_slice %arg11[%mul3A_14, %dma_start3A_19] : memref<10112x64xf32, #tpu.memory_space<vmem_shared>> -> memref<632x64xf32, #tpu.memory_space<vmem_shared>>
      tpu.enqueue_dma source(%dma_start3A_20 : memref<632x64xf32, #tpu.memory_space<vmem_shared>>) target(%dma_start3A_18 : memref<632x64xf32, #tpu.memory_space<hbm>>) target_semaphore(%run_scoped3A : memref<!tpu.dma_semaphore, #tpu.memory_space<semaphore_mem>>)
      %dma_wait3A = arith.constant 0 : i32
      %dma_wait3A_21 = tpu.memref_slice %arg6[%arg0, %mul3A_16, %dma_wait3A] : memref<2x10112x64xf32, #tpu.memory_space<hbm>> -> memref<1x632x64xf32, #tpu.memory_space<hbm>>
      %dma_wait3A_22 = tpu.memref_squeeze %dma_wait3A_21 : memref<1x632x64xf32, #tpu.memory_space<hbm>> -> memref<632x64xf32, #tpu.memory_space<hbm>>
      %dma_wait3A_23 = arith.constant 0 : i32
      %dma_wait3A_24 = tpu.memref_slice %arg11[%mul3A_14, %dma_wait3A_23] : memref<10112x64xf32, #tpu.memory_space<vmem_shared>> -> memref<632x64xf32, #tpu.memory_space<vmem_shared>>
      tpu.wait_dma2 semaphore(%run_scoped3A : memref<!tpu.dma_semaphore, #tpu.memory_space<semaphore_mem>>) src(%dma_wait3A_24 : memref<632x64xf32, #tpu.memory_space<vmem_shared>>) dst(%dma_wait3A_22 : memref<632x64xf32, #tpu.memory_space<hbm>>)
      tpu.yield
    }) : () -> ()
    return
  }
}

#map = affine_map<(d0, d1) -> (0, 0)>
#map1 = affine_map<(d0, d1) -> (0, 0, 0)>
module attributes {stable_mosaic.version = 14 : i64} {
  func.func @body(%arg0: i32, %arg1: i32, %arg2: memref<10000x24xf32, #tpu.memory_space<hbm>>, %arg3: memref<32x79x128xi32, #tpu.memory_space<hbm>>, %arg4: memref<32x79x128xi32, #tpu.memory_space<hbm>>, %arg5: memref<632x24xf32, #tpu.memory_space<hbm>>, %arg6: memref<2x10112x24xf32, #tpu.memory_space<hbm>>, %arg7: memref<79x128xi32, #tpu.memory_space<vmem>>, %arg8: memref<79x128xi32, #tpu.memory_space<vmem>>, %arg9: memref<128x24xf32, #tpu.memory_space<vmem>>, %arg10: memref<10000x24xf32, #tpu.memory_space<vmem_shared>>, %arg11: memref<10112x24xf32, #tpu.memory_space<vmem_shared>>) attributes {dimension_semantics = [#tpu.dimension_semantics<core_parallel>, #tpu.dimension_semantics<subcore_parallel>], iteration_bounds = array<i64: 2, 16>, scalar_prefetch = 0 : i64, scratch_operands = 5 : i64, tpu.core_type = #tpu.core_type<sc_vector_subcore>, window_params = [{transform_indices = #map}, {transform_indices = #map1}, {transform_indices = #map1}, {transform_indices = #map}, {transform_indices = #map1}]} {
    %mul3A = arith.constant 16 : i32
    %mul3A_0 = arith.muli %arg0, %mul3A : i32
    %add3A = arith.addi %mul3A_0, %arg1 : i32
    %mul3A_1 = arith.constant 632 : i32
    %mul3A_2 = arith.muli %arg1, %mul3A_1 : i32
    "tpu.region"() ({
      %run_scoped3A = tpu.sem_alloc : memref<!tpu.dma_semaphore, #tpu.memory_space<semaphore_mem>>
      %dma_start3A = arith.constant 0 : i32
      %dma_start3A_17 = tpu.memref_slice %arg11[%mul3A_2, %dma_start3A] : memref<10112x24xf32, #tpu.memory_space<vmem_shared>> -> memref<632x24xf32, #tpu.memory_space<vmem_shared>>
      tpu.enqueue_dma source(%arg5 : memref<632x24xf32, #tpu.memory_space<hbm>>) target(%dma_start3A_17 : memref<632x24xf32, #tpu.memory_space<vmem_shared>>) target_semaphore(%run_scoped3A : memref<!tpu.dma_semaphore, #tpu.memory_space<semaphore_mem>>)
      %dma_wait3A = arith.constant 0 : i32
      %dma_wait3A_18 = tpu.memref_slice %arg11[%mul3A_2, %dma_wait3A] : memref<10112x24xf32, #tpu.memory_space<vmem_shared>> -> memref<632x24xf32, #tpu.memory_space<vmem_shared>>
      tpu.wait_dma2 semaphore(%run_scoped3A : memref<!tpu.dma_semaphore, #tpu.memory_space<semaphore_mem>>) src(%arg5 : memref<632x24xf32, #tpu.memory_space<hbm>>) dst(%dma_wait3A_18 : memref<632x24xf32, #tpu.memory_space<vmem_shared>>)
      tpu.yield
    }) : () -> ()
    %mul3A_3 = arith.constant 625 : i32
    %mul3A_4 = arith.muli %arg1, %mul3A_3 : i32
    %mul3A_5 = arith.constant 625 : i32
    %mul3A_6 = arith.muli %arg1, %mul3A_5 : i32
    "tpu.region"() ({
      %run_scoped3A = tpu.sem_alloc : memref<!tpu.dma_semaphore, #tpu.memory_space<semaphore_mem>>
      %dma_start3A = arith.constant 0 : i32
      %dma_start3A_17 = tpu.memref_slice %arg10[%mul3A_6, %dma_start3A] : memref<10000x24xf32, #tpu.memory_space<vmem_shared>> -> memref<625x24xf32, #tpu.memory_space<vmem_shared>>
      %dma_start3A_18 = arith.constant 0 : i32
      %dma_start3A_19 = tpu.memref_slice %arg2[%mul3A_4, %dma_start3A_18] : memref<10000x24xf32, #tpu.memory_space<hbm>> -> memref<625x24xf32, #tpu.memory_space<hbm>>
      tpu.enqueue_dma source(%dma_start3A_19 : memref<625x24xf32, #tpu.memory_space<hbm>>) target(%dma_start3A_17 : memref<625x24xf32, #tpu.memory_space<vmem_shared>>) target_semaphore(%run_scoped3A : memref<!tpu.dma_semaphore, #tpu.memory_space<semaphore_mem>>)
      %dma_wait3A = arith.constant 0 : i32
      %dma_wait3A_20 = tpu.memref_slice %arg10[%mul3A_6, %dma_wait3A] : memref<10000x24xf32, #tpu.memory_space<vmem_shared>> -> memref<625x24xf32, #tpu.memory_space<vmem_shared>>
      %dma_wait3A_21 = arith.constant 0 : i32
      %dma_wait3A_22 = tpu.memref_slice %arg2[%mul3A_4, %dma_wait3A_21] : memref<10000x24xf32, #tpu.memory_space<hbm>> -> memref<625x24xf32, #tpu.memory_space<hbm>>
      tpu.wait_dma2 semaphore(%run_scoped3A : memref<!tpu.dma_semaphore, #tpu.memory_space<semaphore_mem>>) src(%dma_wait3A_22 : memref<625x24xf32, #tpu.memory_space<hbm>>) dst(%dma_wait3A_20 : memref<625x24xf32, #tpu.memory_space<vmem_shared>>)
      tpu.yield
    }) : () -> ()
    "tpu.region"() ({
      %run_scoped3A = tpu.sem_alloc : memref<!tpu.dma_semaphore, #tpu.memory_space<semaphore_mem>>
      %dma_start3A = arith.constant 0 : i32
      %dma_start3A_17 = arith.constant 0 : i32
      %dma_start3A_18 = tpu.memref_slice %arg3[%add3A, %dma_start3A, %dma_start3A_17] : memref<32x79x128xi32, #tpu.memory_space<hbm>> -> memref<1x79x128xi32, #tpu.memory_space<hbm>>
      %dma_start3A_19 = tpu.memref_squeeze %dma_start3A_18 : memref<1x79x128xi32, #tpu.memory_space<hbm>> -> memref<79x128xi32, #tpu.memory_space<hbm>>
      %dma_start3A_20 = arith.constant 0 : i32
      %dma_start3A_21 = arith.constant 0 : i32
      %dma_start3A_22 = tpu.memref_slice %arg3[%add3A, %dma_start3A_20, %dma_start3A_21] : memref<32x79x128xi32, #tpu.memory_space<hbm>> -> memref<1x79x128xi32, #tpu.memory_space<hbm>>
      %dma_start3A_23 = tpu.memref_squeeze %dma_start3A_22 : memref<1x79x128xi32, #tpu.memory_space<hbm>> -> memref<79x128xi32, #tpu.memory_space<hbm>>
      tpu.enqueue_dma source(%dma_start3A_23 : memref<79x128xi32, #tpu.memory_space<hbm>>) target(%arg7 : memref<79x128xi32, #tpu.memory_space<vmem>>) target_semaphore(%run_scoped3A : memref<!tpu.dma_semaphore, #tpu.memory_space<semaphore_mem>>)
      %dma_wait3A = arith.constant 0 : i32
      %dma_wait3A_24 = arith.constant 0 : i32
      %dma_wait3A_25 = tpu.memref_slice %arg3[%add3A, %dma_wait3A, %dma_wait3A_24] : memref<32x79x128xi32, #tpu.memory_space<hbm>> -> memref<1x79x128xi32, #tpu.memory_space<hbm>>
      %dma_wait3A_26 = tpu.memref_squeeze %dma_wait3A_25 : memref<1x79x128xi32, #tpu.memory_space<hbm>> -> memref<79x128xi32, #tpu.memory_space<hbm>>
      %dma_wait3A_27 = arith.constant 0 : i32
      %dma_wait3A_28 = arith.constant 0 : i32
      %dma_wait3A_29 = tpu.memref_slice %arg3[%add3A, %dma_wait3A_27, %dma_wait3A_28] : memref<32x79x128xi32, #tpu.memory_space<hbm>> -> memref<1x79x128xi32, #tpu.memory_space<hbm>>
      %dma_wait3A_30 = tpu.memref_squeeze %dma_wait3A_29 : memref<1x79x128xi32, #tpu.memory_space<hbm>> -> memref<79x128xi32, #tpu.memory_space<hbm>>
      tpu.wait_dma2 semaphore(%run_scoped3A : memref<!tpu.dma_semaphore, #tpu.memory_space<semaphore_mem>>) src(%dma_wait3A_30 : memref<79x128xi32, #tpu.memory_space<hbm>>) dst(%arg7 : memref<79x128xi32, #tpu.memory_space<vmem>>)
      tpu.yield
    }) : () -> ()
    "tpu.region"() ({
      %run_scoped3A = tpu.sem_alloc : memref<!tpu.dma_semaphore, #tpu.memory_space<semaphore_mem>>
      %dma_start3A = arith.constant 0 : i32
      %dma_start3A_17 = arith.constant 0 : i32
      %dma_start3A_18 = tpu.memref_slice %arg4[%add3A, %dma_start3A, %dma_start3A_17] : memref<32x79x128xi32, #tpu.memory_space<hbm>> -> memref<1x79x128xi32, #tpu.memory_space<hbm>>
      %dma_start3A_19 = tpu.memref_squeeze %dma_start3A_18 : memref<1x79x128xi32, #tpu.memory_space<hbm>> -> memref<79x128xi32, #tpu.memory_space<hbm>>
      %dma_start3A_20 = arith.constant 0 : i32
      %dma_start3A_21 = arith.constant 0 : i32
      %dma_start3A_22 = tpu.memref_slice %arg4[%add3A, %dma_start3A_20, %dma_start3A_21] : memref<32x79x128xi32, #tpu.memory_space<hbm>> -> memref<1x79x128xi32, #tpu.memory_space<hbm>>
      %dma_start3A_23 = tpu.memref_squeeze %dma_start3A_22 : memref<1x79x128xi32, #tpu.memory_space<hbm>> -> memref<79x128xi32, #tpu.memory_space<hbm>>
      tpu.enqueue_dma source(%dma_start3A_23 : memref<79x128xi32, #tpu.memory_space<hbm>>) target(%arg8 : memref<79x128xi32, #tpu.memory_space<vmem>>) target_semaphore(%run_scoped3A : memref<!tpu.dma_semaphore, #tpu.memory_space<semaphore_mem>>)
      %dma_wait3A = arith.constant 0 : i32
      %dma_wait3A_24 = arith.constant 0 : i32
      %dma_wait3A_25 = tpu.memref_slice %arg4[%add3A, %dma_wait3A, %dma_wait3A_24] : memref<32x79x128xi32, #tpu.memory_space<hbm>> -> memref<1x79x128xi32, #tpu.memory_space<hbm>>
      %dma_wait3A_26 = tpu.memref_squeeze %dma_wait3A_25 : memref<1x79x128xi32, #tpu.memory_space<hbm>> -> memref<79x128xi32, #tpu.memory_space<hbm>>
      %dma_wait3A_27 = arith.constant 0 : i32
      %dma_wait3A_28 = arith.constant 0 : i32
      %dma_wait3A_29 = tpu.memref_slice %arg4[%add3A, %dma_wait3A_27, %dma_wait3A_28] : memref<32x79x128xi32, #tpu.memory_space<hbm>> -> memref<1x79x128xi32, #tpu.memory_space<hbm>>
      %dma_wait3A_30 = tpu.memref_squeeze %dma_wait3A_29 : memref<1x79x128xi32, #tpu.memory_space<hbm>> -> memref<79x128xi32, #tpu.memory_space<hbm>>
      tpu.wait_dma2 semaphore(%run_scoped3A : memref<!tpu.dma_semaphore, #tpu.memory_space<semaphore_mem>>) src(%dma_wait3A_30 : memref<79x128xi32, #tpu.memory_space<hbm>>) dst(%arg8 : memref<79x128xi32, #tpu.memory_space<vmem>>)
      tpu.yield
    }) : () -> ()
    %barrier3A = arith.constant 0 : index
    tpu.barrier barrier_id(%barrier3A)
    %scan3A = arith.constant 0 : i32
    %scan3A_7 = arith.constant 0 : i32
    %scan3A_8 = arith.constant 79 : i32
    %scan3A_9 = arith.addi %scan3A_7, %scan3A_8 : i32
    %scan3A_10 = arith.constant 1 : i32
    scf.for %scan3A_17 = %scan3A_7 to %scan3A_9 step %scan3A_10  : i32 {
      "tpu.region"() ({
        %run_scoped3A = tpu.sem_alloc : memref<!tpu.dma_semaphore, #tpu.memory_space<semaphore_mem>>
        %dma_start3A = arith.constant 0 : i32
        %dma_start3A_18 = tpu.memref_slice %arg7[%scan3A_17, %dma_start3A] : memref<79x128xi32, #tpu.memory_space<vmem>> -> memref<1x128xi32, #tpu.memory_space<vmem>>
        %dma_start3A_19 = tpu.memref_squeeze %dma_start3A_18 : memref<1x128xi32, #tpu.memory_space<vmem>> -> memref<128xi32, #tpu.memory_space<vmem>>
        %dma_start3A_20 = arith.constant 0 : i32
        %dma_start3A_21 = arith.constant 0 : i32
        %dma_start3A_22 = tpu.memref_slice %arg10[%dma_start3A_20, %dma_start3A_21] : memref<10000x24xf32, #tpu.memory_space<vmem_shared>> -> memref<10000x24xf32, #tpu.memory_space<vmem_shared>>
        tpu.enqueue_indirect_dma source(%dma_start3A_22 : memref<10000x24xf32, #tpu.memory_space<vmem_shared>>) target(%arg9 : memref<128x24xf32, #tpu.memory_space<vmem>>) offsets(%dma_start3A_19 : memref<128xi32, #tpu.memory_space<vmem>>) semaphore(%run_scoped3A : memref<!tpu.dma_semaphore, #tpu.memory_space<semaphore_mem>>)
        %dma_wait3A = arith.constant 0 : i32
        %dma_wait3A_23 = tpu.memref_slice %arg7[%scan3A_17, %dma_wait3A] : memref<79x128xi32, #tpu.memory_space<vmem>> -> memref<1x128xi32, #tpu.memory_space<vmem>>
        %dma_wait3A_24 = tpu.memref_squeeze %dma_wait3A_23 : memref<1x128xi32, #tpu.memory_space<vmem>> -> memref<128xi32, #tpu.memory_space<vmem>>
        %dma_wait3A_25 = arith.constant 0 : i32
        %dma_wait3A_26 = arith.constant 0 : i32
        %dma_wait3A_27 = tpu.memref_slice %arg10[%dma_wait3A_25, %dma_wait3A_26] : memref<10000x24xf32, #tpu.memory_space<vmem_shared>> -> memref<10000x24xf32, #tpu.memory_space<vmem_shared>>
        tpu.wait_indirect_dma semaphore(%run_scoped3A : memref<!tpu.dma_semaphore, #tpu.memory_space<semaphore_mem>>) src(%dma_wait3A_27 : memref<10000x24xf32, #tpu.memory_space<vmem_shared>>) dst(%arg9 : memref<128x24xf32, #tpu.memory_space<vmem>>)
        tpu.yield
      }) : () -> ()
      "tpu.region"() ({
        %run_scoped3A = tpu.sem_alloc : memref<!tpu.dma_semaphore, #tpu.memory_space<semaphore_mem>>
        %dma_start3A = arith.constant 0 : i32
        %dma_start3A_18 = tpu.memref_slice %arg8[%scan3A_17, %dma_start3A] : memref<79x128xi32, #tpu.memory_space<vmem>> -> memref<1x128xi32, #tpu.memory_space<vmem>>
        %dma_start3A_19 = tpu.memref_squeeze %dma_start3A_18 : memref<1x128xi32, #tpu.memory_space<vmem>> -> memref<128xi32, #tpu.memory_space<vmem>>
        %dma_start3A_20 = arith.constant 0 : i32
        %dma_start3A_21 = arith.constant 0 : i32
        %dma_start3A_22 = tpu.memref_slice %arg11[%dma_start3A_20, %dma_start3A_21] : memref<10112x24xf32, #tpu.memory_space<vmem_shared>> -> memref<10112x24xf32, #tpu.memory_space<vmem_shared>>
        tpu.enqueue_indirect_dma source(%arg9 : memref<128x24xf32, #tpu.memory_space<vmem>>) target(%dma_start3A_22 : memref<10112x24xf32, #tpu.memory_space<vmem_shared>>) offsets(%dma_start3A_19 : memref<128xi32, #tpu.memory_space<vmem>>) semaphore(%run_scoped3A : memref<!tpu.dma_semaphore, #tpu.memory_space<semaphore_mem>>) {add = true}
        %dma_wait3A = arith.constant 0 : i32
        %dma_wait3A_23 = tpu.memref_slice %arg8[%scan3A_17, %dma_wait3A] : memref<79x128xi32, #tpu.memory_space<vmem>> -> memref<1x128xi32, #tpu.memory_space<vmem>>
        %dma_wait3A_24 = tpu.memref_squeeze %dma_wait3A_23 : memref<1x128xi32, #tpu.memory_space<vmem>> -> memref<128xi32, #tpu.memory_space<vmem>>
        %dma_wait3A_25 = arith.constant 0 : i32
        %dma_wait3A_26 = arith.constant 0 : i32
        %dma_wait3A_27 = tpu.memref_slice %arg11[%dma_wait3A_25, %dma_wait3A_26] : memref<10112x24xf32, #tpu.memory_space<vmem_shared>> -> memref<10112x24xf32, #tpu.memory_space<vmem_shared>>
        tpu.wait_indirect_dma semaphore(%run_scoped3A : memref<!tpu.dma_semaphore, #tpu.memory_space<semaphore_mem>>) src(%arg9 : memref<128x24xf32, #tpu.memory_space<vmem>>) dst(%dma_wait3A_27 : memref<10112x24xf32, #tpu.memory_space<vmem_shared>>)
        tpu.yield
      }) : () -> ()
    }
    %scan3A_11 = arith.constant 79 : i32
    %barrier3A_12 = arith.constant 0 : index
    tpu.barrier barrier_id(%barrier3A_12)
    %mul3A_13 = arith.constant 632 : i32
    %mul3A_14 = arith.muli %arg1, %mul3A_13 : i32
    %mul3A_15 = arith.constant 632 : i32
    %mul3A_16 = arith.muli %arg1, %mul3A_15 : i32
    "tpu.region"() ({
      %run_scoped3A = tpu.sem_alloc : memref<!tpu.dma_semaphore, #tpu.memory_space<semaphore_mem>>
      %dma_start3A = arith.constant 0 : i32
      %dma_start3A_17 = tpu.memref_slice %arg6[%arg0, %mul3A_16, %dma_start3A] : memref<2x10112x24xf32, #tpu.memory_space<hbm>> -> memref<1x632x24xf32, #tpu.memory_space<hbm>>
      %dma_start3A_18 = tpu.memref_squeeze %dma_start3A_17 : memref<1x632x24xf32, #tpu.memory_space<hbm>> -> memref<632x24xf32, #tpu.memory_space<hbm>>
      %dma_start3A_19 = arith.constant 0 : i32
      %dma_start3A_20 = tpu.memref_slice %arg11[%mul3A_14, %dma_start3A_19] : memref<10112x24xf32, #tpu.memory_space<vmem_shared>> -> memref<632x24xf32, #tpu.memory_space<vmem_shared>>
      tpu.enqueue_dma source(%dma_start3A_20 : memref<632x24xf32, #tpu.memory_space<vmem_shared>>) target(%dma_start3A_18 : memref<632x24xf32, #tpu.memory_space<hbm>>) target_semaphore(%run_scoped3A : memref<!tpu.dma_semaphore, #tpu.memory_space<semaphore_mem>>)
      %dma_wait3A = arith.constant 0 : i32
      %dma_wait3A_21 = tpu.memref_slice %arg6[%arg0, %mul3A_16, %dma_wait3A] : memref<2x10112x24xf32, #tpu.memory_space<hbm>> -> memref<1x632x24xf32, #tpu.memory_space<hbm>>
      %dma_wait3A_22 = tpu.memref_squeeze %dma_wait3A_21 : memref<1x632x24xf32, #tpu.memory_space<hbm>> -> memref<632x24xf32, #tpu.memory_space<hbm>>
      %dma_wait3A_23 = arith.constant 0 : i32
      %dma_wait3A_24 = tpu.memref_slice %arg11[%mul3A_14, %dma_wait3A_23] : memref<10112x24xf32, #tpu.memory_space<vmem_shared>> -> memref<632x24xf32, #tpu.memory_space<vmem_shared>>
      tpu.wait_dma2 semaphore(%run_scoped3A : memref<!tpu.dma_semaphore, #tpu.memory_space<semaphore_mem>>) src(%dma_wait3A_24 : memref<632x24xf32, #tpu.memory_space<vmem_shared>>) dst(%dma_wait3A_22 : memref<632x24xf32, #tpu.memory_space<hbm>>)
      tpu.yield
    }) : () -> ()
    return
  }
}

#map = affine_map<(d0, d1) -> (0, 0)>
#map1 = affine_map<(d0, d1) -> (0, 0, 0)>
module attributes {stable_mosaic.version = 14 : i64} {
  func.func @body(%arg0: i32, %arg1: i32, %arg2: memref<10000x24xf32, #tpu.memory_space<hbm>>, %arg3: memref<32x79x128xi32, #tpu.memory_space<hbm>>, %arg4: memref<32x79x128xi32, #tpu.memory_space<hbm>>, %arg5: memref<632x24xf32, #tpu.memory_space<hbm>>, %arg6: memref<2x10112x24xf32, #tpu.memory_space<hbm>>, %arg7: memref<79x128xi32, #tpu.memory_space<vmem>>, %arg8: memref<79x128xi32, #tpu.memory_space<vmem>>, %arg9: memref<128x24xf32, #tpu.memory_space<vmem>>, %arg10: memref<10000x24xf32, #tpu.memory_space<vmem_shared>>, %arg11: memref<10112x24xf32, #tpu.memory_space<vmem_shared>>) attributes {dimension_semantics = [#tpu.dimension_semantics<core_parallel>, #tpu.dimension_semantics<subcore_parallel>], iteration_bounds = array<i64: 2, 16>, scalar_prefetch = 0 : i64, scratch_operands = 5 : i64, tpu.core_type = #tpu.core_type<sc_vector_subcore>, window_params = [{transform_indices = #map}, {transform_indices = #map1}, {transform_indices = #map1}, {transform_indices = #map}, {transform_indices = #map1}]} {
    %mul3A = arith.constant 16 : i32
    %mul3A_0 = arith.muli %arg0, %mul3A : i32
    %add3A = arith.addi %mul3A_0, %arg1 : i32
    %mul3A_1 = arith.constant 632 : i32
    %mul3A_2 = arith.muli %arg1, %mul3A_1 : i32
    "tpu.region"() ({
      %run_scoped3A = tpu.sem_alloc : memref<!tpu.dma_semaphore, #tpu.memory_space<semaphore_mem>>
      %dma_start3A = arith.constant 0 : i32
      %dma_start3A_17 = tpu.memref_slice %arg11[%mul3A_2, %dma_start3A] : memref<10112x24xf32, #tpu.memory_space<vmem_shared>> -> memref<632x24xf32, #tpu.memory_space<vmem_shared>>
      tpu.enqueue_dma source(%arg5 : memref<632x24xf32, #tpu.memory_space<hbm>>) target(%dma_start3A_17 : memref<632x24xf32, #tpu.memory_space<vmem_shared>>) target_semaphore(%run_scoped3A : memref<!tpu.dma_semaphore, #tpu.memory_space<semaphore_mem>>)
      %dma_wait3A = arith.constant 0 : i32
      %dma_wait3A_18 = tpu.memref_slice %arg11[%mul3A_2, %dma_wait3A] : memref<10112x24xf32, #tpu.memory_space<vmem_shared>> -> memref<632x24xf32, #tpu.memory_space<vmem_shared>>
      tpu.wait_dma2 semaphore(%run_scoped3A : memref<!tpu.dma_semaphore, #tpu.memory_space<semaphore_mem>>) src(%arg5 : memref<632x24xf32, #tpu.memory_space<hbm>>) dst(%dma_wait3A_18 : memref<632x24xf32, #tpu.memory_space<vmem_shared>>)
      tpu.yield
    }) : () -> ()
    %mul3A_3 = arith.constant 625 : i32
    %mul3A_4 = arith.muli %arg1, %mul3A_3 : i32
    %mul3A_5 = arith.constant 625 : i32
    %mul3A_6 = arith.muli %arg1, %mul3A_5 : i32
    "tpu.region"() ({
      %run_scoped3A = tpu.sem_alloc : memref<!tpu.dma_semaphore, #tpu.memory_space<semaphore_mem>>
      %dma_start3A = arith.constant 0 : i32
      %dma_start3A_17 = tpu.memref_slice %arg10[%mul3A_6, %dma_start3A] : memref<10000x24xf32, #tpu.memory_space<vmem_shared>> -> memref<625x24xf32, #tpu.memory_space<vmem_shared>>
      %dma_start3A_18 = arith.constant 0 : i32
      %dma_start3A_19 = tpu.memref_slice %arg2[%mul3A_4, %dma_start3A_18] : memref<10000x24xf32, #tpu.memory_space<hbm>> -> memref<625x24xf32, #tpu.memory_space<hbm>>
      tpu.enqueue_dma source(%dma_start3A_19 : memref<625x24xf32, #tpu.memory_space<hbm>>) target(%dma_start3A_17 : memref<625x24xf32, #tpu.memory_space<vmem_shared>>) target_semaphore(%run_scoped3A : memref<!tpu.dma_semaphore, #tpu.memory_space<semaphore_mem>>)
      %dma_wait3A = arith.constant 0 : i32
      %dma_wait3A_20 = tpu.memref_slice %arg10[%mul3A_6, %dma_wait3A] : memref<10000x24xf32, #tpu.memory_space<vmem_shared>> -> memref<625x24xf32, #tpu.memory_space<vmem_shared>>
      %dma_wait3A_21 = arith.constant 0 : i32
      %dma_wait3A_22 = tpu.memref_slice %arg2[%mul3A_4, %dma_wait3A_21] : memref<10000x24xf32, #tpu.memory_space<hbm>> -> memref<625x24xf32, #tpu.memory_space<hbm>>
      tpu.wait_dma2 semaphore(%run_scoped3A : memref<!tpu.dma_semaphore, #tpu.memory_space<semaphore_mem>>) src(%dma_wait3A_22 : memref<625x24xf32, #tpu.memory_space<hbm>>) dst(%dma_wait3A_20 : memref<625x24xf32, #tpu.memory_space<vmem_shared>>)
      tpu.yield
    }) : () -> ()
    "tpu.region"() ({
      %run_scoped3A = tpu.sem_alloc : memref<!tpu.dma_semaphore, #tpu.memory_space<semaphore_mem>>
      %dma_start3A = arith.constant 0 : i32
      %dma_start3A_17 = arith.constant 0 : i32
      %dma_start3A_18 = tpu.memref_slice %arg3[%add3A, %dma_start3A, %dma_start3A_17] : memref<32x79x128xi32, #tpu.memory_space<hbm>> -> memref<1x79x128xi32, #tpu.memory_space<hbm>>
      %dma_start3A_19 = tpu.memref_squeeze %dma_start3A_18 : memref<1x79x128xi32, #tpu.memory_space<hbm>> -> memref<79x128xi32, #tpu.memory_space<hbm>>
      %dma_start3A_20 = arith.constant 0 : i32
      %dma_start3A_21 = arith.constant 0 : i32
      %dma_start3A_22 = tpu.memref_slice %arg3[%add3A, %dma_start3A_20, %dma_start3A_21] : memref<32x79x128xi32, #tpu.memory_space<hbm>> -> memref<1x79x128xi32, #tpu.memory_space<hbm>>
      %dma_start3A_23 = tpu.memref_squeeze %dma_start3A_22 : memref<1x79x128xi32, #tpu.memory_space<hbm>> -> memref<79x128xi32, #tpu.memory_space<hbm>>
      tpu.enqueue_dma source(%dma_start3A_23 : memref<79x128xi32, #tpu.memory_space<hbm>>) target(%arg7 : memref<79x128xi32, #tpu.memory_space<vmem>>) target_semaphore(%run_scoped3A : memref<!tpu.dma_semaphore, #tpu.memory_space<semaphore_mem>>)
      %dma_wait3A = arith.constant 0 : i32
      %dma_wait3A_24 = arith.constant 0 : i32
      %dma_wait3A_25 = tpu.memref_slice %arg3[%add3A, %dma_wait3A, %dma_wait3A_24] : memref<32x79x128xi32, #tpu.memory_space<hbm>> -> memref<1x79x128xi32, #tpu.memory_space<hbm>>
      %dma_wait3A_26 = tpu.memref_squeeze %dma_wait3A_25 : memref<1x79x128xi32, #tpu.memory_space<hbm>> -> memref<79x128xi32, #tpu.memory_space<hbm>>
      %dma_wait3A_27 = arith.constant 0 : i32
      %dma_wait3A_28 = arith.constant 0 : i32
      %dma_wait3A_29 = tpu.memref_slice %arg3[%add3A, %dma_wait3A_27, %dma_wait3A_28] : memref<32x79x128xi32, #tpu.memory_space<hbm>> -> memref<1x79x128xi32, #tpu.memory_space<hbm>>
      %dma_wait3A_30 = tpu.memref_squeeze %dma_wait3A_29 : memref<1x79x128xi32, #tpu.memory_space<hbm>> -> memref<79x128xi32, #tpu.memory_space<hbm>>
      tpu.wait_dma2 semaphore(%run_scoped3A : memref<!tpu.dma_semaphore, #tpu.memory_space<semaphore_mem>>) src(%dma_wait3A_30 : memref<79x128xi32, #tpu.memory_space<hbm>>) dst(%arg7 : memref<79x128xi32, #tpu.memory_space<vmem>>)
      tpu.yield
    }) : () -> ()
    "tpu.region"() ({
      %run_scoped3A = tpu.sem_alloc : memref<!tpu.dma_semaphore, #tpu.memory_space<semaphore_mem>>
      %dma_start3A = arith.constant 0 : i32
      %dma_start3A_17 = arith.constant 0 : i32
      %dma_start3A_18 = tpu.memref_slice %arg4[%add3A, %dma_start3A, %dma_start3A_17] : memref<32x79x128xi32, #tpu.memory_space<hbm>> -> memref<1x79x128xi32, #tpu.memory_space<hbm>>
      %dma_start3A_19 = tpu.memref_squeeze %dma_start3A_18 : memref<1x79x128xi32, #tpu.memory_space<hbm>> -> memref<79x128xi32, #tpu.memory_space<hbm>>
      %dma_start3A_20 = arith.constant 0 : i32
      %dma_start3A_21 = arith.constant 0 : i32
      %dma_start3A_22 = tpu.memref_slice %arg4[%add3A, %dma_start3A_20, %dma_start3A_21] : memref<32x79x128xi32, #tpu.memory_space<hbm>> -> memref<1x79x128xi32, #tpu.memory_space<hbm>>
      %dma_start3A_23 = tpu.memref_squeeze %dma_start3A_22 : memref<1x79x128xi32, #tpu.memory_space<hbm>> -> memref<79x128xi32, #tpu.memory_space<hbm>>
      tpu.enqueue_dma source(%dma_start3A_23 : memref<79x128xi32, #tpu.memory_space<hbm>>) target(%arg8 : memref<79x128xi32, #tpu.memory_space<vmem>>) target_semaphore(%run_scoped3A : memref<!tpu.dma_semaphore, #tpu.memory_space<semaphore_mem>>)
      %dma_wait3A = arith.constant 0 : i32
      %dma_wait3A_24 = arith.constant 0 : i32
      %dma_wait3A_25 = tpu.memref_slice %arg4[%add3A, %dma_wait3A, %dma_wait3A_24] : memref<32x79x128xi32, #tpu.memory_space<hbm>> -> memref<1x79x128xi32, #tpu.memory_space<hbm>>
      %dma_wait3A_26 = tpu.memref_squeeze %dma_wait3A_25 : memref<1x79x128xi32, #tpu.memory_space<hbm>> -> memref<79x128xi32, #tpu.memory_space<hbm>>
      %dma_wait3A_27 = arith.constant 0 : i32
      %dma_wait3A_28 = arith.constant 0 : i32
      %dma_wait3A_29 = tpu.memref_slice %arg4[%add3A, %dma_wait3A_27, %dma_wait3A_28] : memref<32x79x128xi32, #tpu.memory_space<hbm>> -> memref<1x79x128xi32, #tpu.memory_space<hbm>>
      %dma_wait3A_30 = tpu.memref_squeeze %dma_wait3A_29 : memref<1x79x128xi32, #tpu.memory_space<hbm>> -> memref<79x128xi32, #tpu.memory_space<hbm>>
      tpu.wait_dma2 semaphore(%run_scoped3A : memref<!tpu.dma_semaphore, #tpu.memory_space<semaphore_mem>>) src(%dma_wait3A_30 : memref<79x128xi32, #tpu.memory_space<hbm>>) dst(%arg8 : memref<79x128xi32, #tpu.memory_space<vmem>>)
      tpu.yield
    }) : () -> ()
    %barrier3A = arith.constant 0 : index
    tpu.barrier barrier_id(%barrier3A)
    %scan3A = arith.constant 0 : i32
    %scan3A_7 = arith.constant 0 : i32
    %scan3A_8 = arith.constant 79 : i32
    %scan3A_9 = arith.addi %scan3A_7, %scan3A_8 : i32
    %scan3A_10 = arith.constant 1 : i32
    scf.for %scan3A_17 = %scan3A_7 to %scan3A_9 step %scan3A_10  : i32 {
      "tpu.region"() ({
        %run_scoped3A = tpu.sem_alloc : memref<!tpu.dma_semaphore, #tpu.memory_space<semaphore_mem>>
        %dma_start3A = arith.constant 0 : i32
        %dma_start3A_18 = tpu.memref_slice %arg7[%scan3A_17, %dma_start3A] : memref<79x128xi32, #tpu.memory_space<vmem>> -> memref<1x128xi32, #tpu.memory_space<vmem>>
        %dma_start3A_19 = tpu.memref_squeeze %dma_start3A_18 : memref<1x128xi32, #tpu.memory_space<vmem>> -> memref<128xi32, #tpu.memory_space<vmem>>
        %dma_start3A_20 = arith.constant 0 : i32
        %dma_start3A_21 = arith.constant 0 : i32
        %dma_start3A_22 = tpu.memref_slice %arg10[%dma_start3A_20, %dma_start3A_21] : memref<10000x24xf32, #tpu.memory_space<vmem_shared>> -> memref<10000x24xf32, #tpu.memory_space<vmem_shared>>
        tpu.enqueue_indirect_dma source(%dma_start3A_22 : memref<10000x24xf32, #tpu.memory_space<vmem_shared>>) target(%arg9 : memref<128x24xf32, #tpu.memory_space<vmem>>) offsets(%dma_start3A_19 : memref<128xi32, #tpu.memory_space<vmem>>) semaphore(%run_scoped3A : memref<!tpu.dma_semaphore, #tpu.memory_space<semaphore_mem>>)
        %dma_wait3A = arith.constant 0 : i32
        %dma_wait3A_23 = tpu.memref_slice %arg7[%scan3A_17, %dma_wait3A] : memref<79x128xi32, #tpu.memory_space<vmem>> -> memref<1x128xi32, #tpu.memory_space<vmem>>
        %dma_wait3A_24 = tpu.memref_squeeze %dma_wait3A_23 : memref<1x128xi32, #tpu.memory_space<vmem>> -> memref<128xi32, #tpu.memory_space<vmem>>
        %dma_wait3A_25 = arith.constant 0 : i32
        %dma_wait3A_26 = arith.constant 0 : i32
        %dma_wait3A_27 = tpu.memref_slice %arg10[%dma_wait3A_25, %dma_wait3A_26] : memref<10000x24xf32, #tpu.memory_space<vmem_shared>> -> memref<10000x24xf32, #tpu.memory_space<vmem_shared>>
        tpu.wait_indirect_dma semaphore(%run_scoped3A : memref<!tpu.dma_semaphore, #tpu.memory_space<semaphore_mem>>) src(%dma_wait3A_27 : memref<10000x24xf32, #tpu.memory_space<vmem_shared>>) dst(%arg9 : memref<128x24xf32, #tpu.memory_space<vmem>>)
        tpu.yield
      }) : () -> ()
      "tpu.region"() ({
        %run_scoped3A = tpu.sem_alloc : memref<!tpu.dma_semaphore, #tpu.memory_space<semaphore_mem>>
        %dma_start3A = arith.constant 0 : i32
        %dma_start3A_18 = tpu.memref_slice %arg8[%scan3A_17, %dma_start3A] : memref<79x128xi32, #tpu.memory_space<vmem>> -> memref<1x128xi32, #tpu.memory_space<vmem>>
        %dma_start3A_19 = tpu.memref_squeeze %dma_start3A_18 : memref<1x128xi32, #tpu.memory_space<vmem>> -> memref<128xi32, #tpu.memory_space<vmem>>
        %dma_start3A_20 = arith.constant 0 : i32
        %dma_start3A_21 = arith.constant 0 : i32
        %dma_start3A_22 = tpu.memref_slice %arg11[%dma_start3A_20, %dma_start3A_21] : memref<10112x24xf32, #tpu.memory_space<vmem_shared>> -> memref<10112x24xf32, #tpu.memory_space<vmem_shared>>
        tpu.enqueue_indirect_dma source(%arg9 : memref<128x24xf32, #tpu.memory_space<vmem>>) target(%dma_start3A_22 : memref<10112x24xf32, #tpu.memory_space<vmem_shared>>) offsets(%dma_start3A_19 : memref<128xi32, #tpu.memory_space<vmem>>) semaphore(%run_scoped3A : memref<!tpu.dma_semaphore, #tpu.memory_space<semaphore_mem>>) {add = true}
        %dma_wait3A = arith.constant 0 : i32
        %dma_wait3A_23 = tpu.memref_slice %arg8[%scan3A_17, %dma_wait3A] : memref<79x128xi32, #tpu.memory_space<vmem>> -> memref<1x128xi32, #tpu.memory_space<vmem>>
        %dma_wait3A_24 = tpu.memref_squeeze %dma_wait3A_23 : memref<1x128xi32, #tpu.memory_space<vmem>> -> memref<128xi32, #tpu.memory_space<vmem>>
        %dma_wait3A_25 = arith.constant 0 : i32
        %dma_wait3A_26 = arith.constant 0 : i32
        %dma_wait3A_27 = tpu.memref_slice %arg11[%dma_wait3A_25, %dma_wait3A_26] : memref<10112x24xf32, #tpu.memory_space<vmem_shared>> -> memref<10112x24xf32, #tpu.memory_space<vmem_shared>>
        tpu.wait_indirect_dma semaphore(%run_scoped3A : memref<!tpu.dma_semaphore, #tpu.memory_space<semaphore_mem>>) src(%arg9 : memref<128x24xf32, #tpu.memory_space<vmem>>) dst(%dma_wait3A_27 : memref<10112x24xf32, #tpu.memory_space<vmem_shared>>)
        tpu.yield
      }) : () -> ()
    }
    %scan3A_11 = arith.constant 79 : i32
    %barrier3A_12 = arith.constant 0 : index
    tpu.barrier barrier_id(%barrier3A_12)
    %mul3A_13 = arith.constant 632 : i32
    %mul3A_14 = arith.muli %arg1, %mul3A_13 : i32
    %mul3A_15 = arith.constant 632 : i32
    %mul3A_16 = arith.muli %arg1, %mul3A_15 : i32
    "tpu.region"() ({
      %run_scoped3A = tpu.sem_alloc : memref<!tpu.dma_semaphore, #tpu.memory_space<semaphore_mem>>
      %dma_start3A = arith.constant 0 : i32
      %dma_start3A_17 = tpu.memref_slice %arg6[%arg0, %mul3A_16, %dma_start3A] : memref<2x10112x24xf32, #tpu.memory_space<hbm>> -> memref<1x632x24xf32, #tpu.memory_space<hbm>>
      %dma_start3A_18 = tpu.memref_squeeze %dma_start3A_17 : memref<1x632x24xf32, #tpu.memory_space<hbm>> -> memref<632x24xf32, #tpu.memory_space<hbm>>
      %dma_start3A_19 = arith.constant 0 : i32
      %dma_start3A_20 = tpu.memref_slice %arg11[%mul3A_14, %dma_start3A_19] : memref<10112x24xf32, #tpu.memory_space<vmem_shared>> -> memref<632x24xf32, #tpu.memory_space<vmem_shared>>
      tpu.enqueue_dma source(%dma_start3A_20 : memref<632x24xf32, #tpu.memory_space<vmem_shared>>) target(%dma_start3A_18 : memref<632x24xf32, #tpu.memory_space<hbm>>) target_semaphore(%run_scoped3A : memref<!tpu.dma_semaphore, #tpu.memory_space<semaphore_mem>>)
      %dma_wait3A = arith.constant 0 : i32
      %dma_wait3A_21 = tpu.memref_slice %arg6[%arg0, %mul3A_16, %dma_wait3A] : memref<2x10112x24xf32, #tpu.memory_space<hbm>> -> memref<1x632x24xf32, #tpu.memory_space<hbm>>
      %dma_wait3A_22 = tpu.memref_squeeze %dma_wait3A_21 : memref<1x632x24xf32, #tpu.memory_space<hbm>> -> memref<632x24xf32, #tpu.memory_space<hbm>>
      %dma_wait3A_23 = arith.constant 0 : i32
      %dma_wait3A_24 = tpu.memref_slice %arg11[%mul3A_14, %dma_wait3A_23] : memref<10112x24xf32, #tpu.memory_space<vmem_shared>> -> memref<632x24xf32, #tpu.memory_space<vmem_shared>>
      tpu.wait_dma2 semaphore(%run_scoped3A : memref<!tpu.dma_semaphore, #tpu.memory_space<semaphore_mem>>) src(%dma_wait3A_24 : memref<632x24xf32, #tpu.memory_space<vmem_shared>>) dst(%dma_wait3A_22 : memref<632x24xf32, #tpu.memory_space<hbm>>)
      tpu.yield
    }) : () -> ()
    return
  }
}

module attributes {stable_mosaic.version = 14 : i64} {
  func.func @_layer0_body(%arg0: i32, %arg1: memref<2x10000x64xf32, #tpu.memory_space<vmem>>, %arg2: memref<10000x128xf32, #tpu.memory_space<vmem>>, %arg3: memref<128x20xf32, #tpu.memory_space<vmem>>, %arg4: memref<1x20xf32, #tpu.memory_space<vmem>>, %arg5: memref<1x20xf32, #tpu.memory_space<vmem>>, %arg6: memref<1x20xf32, #tpu.memory_space<vmem>>, %arg7: memref<20x20xf32, #tpu.memory_space<vmem>>, %arg8: memref<1x20xf32, #tpu.memory_space<vmem>>, %arg9: memref<1x20xf32, #tpu.memory_space<vmem>>, %arg10: memref<1x20xf32, #tpu.memory_space<vmem>>, %arg11: memref<10000x24xf32, #tpu.memory_space<vmem>>) attributes {dimension_semantics = [#tpu.dimension_semantics<arbitrary>], iteration_bounds = array<i64: 1>, scalar_prefetch = 0 : i64, scratch_operands = 0 : i64, tpu.core_type = #tpu.core_type<tc>, window_params = [{transform_indices = @transform_0, window_bounds = array<i64: 2, 10000, 64>}, {pipeline_mode = #tpu.pipeline_mode<synchronous>, transform_indices = @transform_1, window_bounds = array<i64: 10000, 128>}, {pipeline_mode = #tpu.pipeline_mode<synchronous>, transform_indices = @transform_2, window_bounds = array<i64: 128, 20>}, {pipeline_mode = #tpu.pipeline_mode<synchronous>, transform_indices = @transform_3, window_bounds = array<i64: 1, 20>}, {pipeline_mode = #tpu.pipeline_mode<synchronous>, transform_indices = @transform_4, window_bounds = array<i64: 1, 20>}, {pipeline_mode = #tpu.pipeline_mode<synchronous>, transform_indices = @transform_5, window_bounds = array<i64: 1, 20>}, {pipeline_mode = #tpu.pipeline_mode<synchronous>, transform_indices = @transform_6, window_bounds = array<i64: 20, 20>}, {pipeline_mode = #tpu.pipeline_mode<synchronous>, transform_indices = @transform_7, window_bounds = array<i64: 1, 20>}, {pipeline_mode = #tpu.pipeline_mode<synchronous>, transform_indices = @transform_8, window_bounds = array<i64: 1, 20>}, {pipeline_mode = #tpu.pipeline_mode<synchronous>, transform_indices = @transform_9, window_bounds = array<i64: 1, 20>}, {pipeline_mode = #tpu.pipeline_mode<synchronous>, transform_indices = @transform_10, window_bounds = array<i64: 10000, 24>}]} {
    %get3A = arith.constant 0 : index
    %get3A_0 = arith.constant 0 : index
    %get3A_1 = arith.constant 0 : index
    %get3A_2 = vector.load %arg1[%get3A, %get3A_0, %get3A_1] : memref<2x10000x64xf32, #tpu.memory_space<vmem>>, vector<1x10000x64xf32>
    %get3A_3 = vector.shape_cast %get3A_2 : vector<1x10000x64xf32> to vector<10000x64xf32>
    %get3A_4 = arith.constant 1 : index
    %get3A_5 = arith.constant 0 : index
    %get3A_6 = arith.constant 0 : index
    %get3A_7 = vector.load %arg1[%get3A_4, %get3A_5, %get3A_6] : memref<2x10000x64xf32, #tpu.memory_space<vmem>>, vector<1x10000x64xf32>
    %get3A_8 = vector.shape_cast %get3A_7 : vector<1x10000x64xf32> to vector<10000x64xf32>
    %concatenate3A = tpu.concatenate %get3A_3, %get3A_8 in 1 : vector<10000x64xf32>, vector<10000x64xf32> -> vector<10000x128xf32>
    %get3A_9 = arith.constant 0 : index
    %get3A_10 = arith.constant 0 : index
    %get3A_11 = vector.load %arg2[%get3A_9, %get3A_10] : memref<10000x128xf32, #tpu.memory_space<vmem>>, vector<10000x128xf32>
    %add3A = arith.addf %concatenate3A, %get3A_11 : vector<10000x128xf32>
    %get3A_12 = arith.constant 0 : index
    %get3A_13 = arith.constant 0 : index
    %get3A_14 = vector.load %arg3[%get3A_12, %get3A_13] : memref<128x20xf32, #tpu.memory_space<vmem>>, vector<128x20xf32>
    %broadcast_in_dim3A = arith.constant 0.000000e+00 : f32
    %broadcast_in_dim3A_15 = vector.broadcast %broadcast_in_dim3A : f32 to vector<128x4xf32>
    %concatenate3A_16 = tpu.concatenate %get3A_14, %broadcast_in_dim3A_15 in 1 : vector<128x20xf32>, vector<128x4xf32> -> vector<128x24xf32>
    %dot_general3A = arith.constant dense<0.000000e+00> : vector<10000x24xf32>
    %dot_general3A_17 = tpu.matmul %add3A, %concatenate3A_16, %dot_general3A {dimension_numbers = #tpu.dot_dimension_numbers<[1], [0], [0], [1], [0, 0, 1, 1], [], []>, transpose_lhs_hint = false} : vector<10000x128xf32>, vector<128x24xf32>, vector<10000x24xf32> -> vector<10000x24xf32>
    %get3A_18 = arith.constant 0 : index
    %get3A_19 = arith.constant 0 : index
    %get3A_20 = vector.load %arg4[%get3A_18, %get3A_19] : memref<1x20xf32, #tpu.memory_space<vmem>>, vector<1x20xf32>
    %broadcast_in_dim3A_21 = arith.constant 0.000000e+00 : f32
    %broadcast_in_dim3A_22 = vector.broadcast %broadcast_in_dim3A_21 : f32 to vector<1x4xf32>
    %concatenate3A_23 = tpu.concatenate %get3A_20, %broadcast_in_dim3A_22 in 1 : vector<1x20xf32>, vector<1x4xf32> -> vector<1x24xf32>
    %add3A_24 = vector.broadcast %concatenate3A_23 : vector<1x24xf32> to vector<10000x24xf32>
    %add3A_25 = arith.addf %dot_general3A_17, %add3A_24 : vector<10000x24xf32>
    %get3A_26 = arith.constant 0 : index
    %get3A_27 = arith.constant 0 : index
    %get3A_28 = vector.load %arg5[%get3A_26, %get3A_27] : memref<1x20xf32, #tpu.memory_space<vmem>>, vector<1x20xf32>
    %broadcast_in_dim3A_29 = arith.constant 0.000000e+00 : f32
    %broadcast_in_dim3A_30 = vector.broadcast %broadcast_in_dim3A_29 : f32 to vector<1x4xf32>
    %concatenate3A_31 = tpu.concatenate %get3A_28, %broadcast_in_dim3A_30 in 1 : vector<1x20xf32>, vector<1x4xf32> -> vector<1x24xf32>
    %get3A_32 = arith.constant 0 : index
    %get3A_33 = arith.constant 0 : index
    %get3A_34 = vector.load %arg6[%get3A_32, %get3A_33] : memref<1x20xf32, #tpu.memory_space<vmem>>, vector<1x20xf32>
    %broadcast_in_dim3A_35 = arith.constant 0.000000e+00 : f32
    %broadcast_in_dim3A_36 = vector.broadcast %broadcast_in_dim3A_35 : f32 to vector<1x4xf32>
    %concatenate3A_37 = tpu.concatenate %get3A_34, %broadcast_in_dim3A_36 in 1 : vector<1x20xf32>, vector<1x4xf32> -> vector<1x24xf32>
    %reduce_sum3A = arith.constant dense<0.000000e+00> : vector<24xf32>
    %reduce_sum3A_38 = vector.multi_reduction <add>, %add3A_25, %reduce_sum3A [0] : vector<10000x24xf32> to vector<24xf32>
    %div3A = arith.constant 1.000000e+04 : f32
    %div3A_39 = vector.broadcast %div3A : f32 to vector<24xf32>
    %div3A_40 = arith.divf %reduce_sum3A_38, %div3A_39 : vector<24xf32>
    %jit3A = arith.constant 0 : i32
    %reduce_sum3A_41 = arith.constant dense<0.000000e+00> : vector<24xf32>
    %reduce_sum3A_42 = vector.multi_reduction <add>, %add3A_25, %reduce_sum3A_41 [0] : vector<10000x24xf32> to vector<24xf32>
    %broadcast_in_dim3A_43 = vector.shape_cast %reduce_sum3A_42 : vector<24xf32> to vector<1x24xf32>
    %div3A_44 = arith.constant 1.000000e+04 : f32
    %div3A_45 = vector.broadcast %div3A_44 : f32 to vector<1x24xf32>
    %div3A_46 = arith.divf %broadcast_in_dim3A_43, %div3A_45 : vector<1x24xf32>
    %sub3A = vector.broadcast %div3A_46 : vector<1x24xf32> to vector<10000x24xf32>
    %sub3A_47 = arith.subf %add3A_25, %sub3A : vector<10000x24xf32>
    %square3A = arith.mulf %sub3A_47, %sub3A_47 : vector<10000x24xf32>
    %convert_element_type3A = arith.sitofp %jit3A : i32 to f32
    %sub3A_48 = arith.constant 1.000000e+04 : f32
    %sub3A_49 = arith.subf %sub3A_48, %convert_element_type3A : f32
    %reduce_sum3A_50 = arith.constant dense<0.000000e+00> : vector<24xf32>
    %reduce_sum3A_51 = vector.multi_reduction <add>, %square3A, %reduce_sum3A_50 [0] : vector<10000x24xf32> to vector<24xf32>
    %div3A_52 = vector.broadcast %sub3A_49 : f32 to vector<24xf32>
    %div3A_53 = arith.divf %reduce_sum3A_51, %div3A_52 : vector<24xf32>
    %gt3A = arith.constant 0.000000e+00 : f32
    %gt3A_54 = arith.cmpf ogt, %sub3A_49, %gt3A : f32
    %jit3A_55 = arith.constant 0x7FC00000 : f32
    %broadcast_in_dim3A_56 = vector.broadcast %jit3A_55 : f32 to vector<24xf32>
    %select_n3A = arith.select %gt3A_54, %div3A_53, %broadcast_in_dim3A_56 : vector<24xf32>
    %broadcast_in_dim3A_57 = vector.shape_cast %div3A_40 : vector<24xf32> to vector<1x24xf32>
    %sub3A_58 = vector.broadcast %broadcast_in_dim3A_57 : vector<1x24xf32> to vector<10000x24xf32>
    %sub3A_59 = arith.subf %add3A_25, %sub3A_58 : vector<10000x24xf32>
    %add3A_60 = arith.constant 9.99999974E-6 : f32
    %add3A_61 = vector.broadcast %add3A_60 : f32 to vector<24xf32>
    %add3A_62 = arith.addf %select_n3A, %add3A_61 : vector<24xf32>
    %sqrt3A = math.sqrt %add3A_62 : vector<24xf32>
    %broadcast_in_dim3A_63 = vector.shape_cast %sqrt3A : vector<24xf32> to vector<1x24xf32>
    %div3A_64 = vector.broadcast %broadcast_in_dim3A_63 : vector<1x24xf32> to vector<10000x24xf32>
    %div3A_65 = arith.divf %sub3A_59, %div3A_64 : vector<10000x24xf32>
    %mul3A = vector.broadcast %concatenate3A_31 : vector<1x24xf32> to vector<10000x24xf32>
    %mul3A_66 = arith.mulf %div3A_65, %mul3A : vector<10000x24xf32>
    %add3A_67 = vector.broadcast %concatenate3A_37 : vector<1x24xf32> to vector<10000x24xf32>
    %add3A_68 = arith.addf %mul3A_66, %add3A_67 : vector<10000x24xf32>
    %get3A_69 = arith.constant 0 : index
    %get3A_70 = arith.constant 0 : index
    %get3A_71 = vector.load %arg7[%get3A_69, %get3A_70] : memref<20x20xf32, #tpu.memory_space<vmem>>, vector<20x20xf32>
    %broadcast_in_dim3A_72 = arith.constant 0.000000e+00 : f32
    %broadcast_in_dim3A_73 = vector.broadcast %broadcast_in_dim3A_72 : f32 to vector<20x4xf32>
    %concatenate3A_74 = tpu.concatenate %get3A_71, %broadcast_in_dim3A_73 in 1 : vector<20x20xf32>, vector<20x4xf32> -> vector<20x24xf32>
    %broadcast_in_dim3A_75 = arith.constant 0.000000e+00 : f32
    %broadcast_in_dim3A_76 = vector.broadcast %broadcast_in_dim3A_75 : f32 to vector<4x24xf32>
    %concatenate3A_77 = tpu.concatenate %concatenate3A_74, %broadcast_in_dim3A_76 in 0 : vector<20x24xf32>, vector<4x24xf32> -> vector<24x24xf32>
    %dot_general3A_78 = arith.constant dense<0.000000e+00> : vector<10000x24xf32>
    %dot_general3A_79 = tpu.matmul %add3A_68, %concatenate3A_77, %dot_general3A_78 {dimension_numbers = #tpu.dot_dimension_numbers<[1], [0], [0], [1], [0, 0, 1, 1], [], []>, transpose_lhs_hint = false} : vector<10000x24xf32>, vector<24x24xf32>, vector<10000x24xf32> -> vector<10000x24xf32>
    %get3A_80 = arith.constant 0 : index
    %get3A_81 = arith.constant 0 : index
    %get3A_82 = vector.load %arg8[%get3A_80, %get3A_81] : memref<1x20xf32, #tpu.memory_space<vmem>>, vector<1x20xf32>
    %broadcast_in_dim3A_83 = arith.constant 0.000000e+00 : f32
    %broadcast_in_dim3A_84 = vector.broadcast %broadcast_in_dim3A_83 : f32 to vector<1x4xf32>
    %concatenate3A_85 = tpu.concatenate %get3A_82, %broadcast_in_dim3A_84 in 1 : vector<1x20xf32>, vector<1x4xf32> -> vector<1x24xf32>
    %add3A_86 = vector.broadcast %concatenate3A_85 : vector<1x24xf32> to vector<10000x24xf32>
    %add3A_87 = arith.addf %dot_general3A_79, %add3A_86 : vector<10000x24xf32>
    %get3A_88 = arith.constant 0 : index
    %get3A_89 = arith.constant 0 : index
    %get3A_90 = vector.load %arg9[%get3A_88, %get3A_89] : memref<1x20xf32, #tpu.memory_space<vmem>>, vector<1x20xf32>
    %broadcast_in_dim3A_91 = arith.constant 0.000000e+00 : f32
    %broadcast_in_dim3A_92 = vector.broadcast %broadcast_in_dim3A_91 : f32 to vector<1x4xf32>
    %concatenate3A_93 = tpu.concatenate %get3A_90, %broadcast_in_dim3A_92 in 1 : vector<1x20xf32>, vector<1x4xf32> -> vector<1x24xf32>
    %get3A_94 = arith.constant 0 : index
    %get3A_95 = arith.constant 0 : index
    %get3A_96 = vector.load %arg10[%get3A_94, %get3A_95] : memref<1x20xf32, #tpu.memory_space<vmem>>, vector<1x20xf32>
    %broadcast_in_dim3A_97 = arith.constant 0.000000e+00 : f32
    %broadcast_in_dim3A_98 = vector.broadcast %broadcast_in_dim3A_97 : f32 to vector<1x4xf32>
    %concatenate3A_99 = tpu.concatenate %get3A_96, %broadcast_in_dim3A_98 in 1 : vector<1x20xf32>, vector<1x4xf32> -> vector<1x24xf32>
    %reduce_sum3A_100 = arith.constant dense<0.000000e+00> : vector<24xf32>
    %reduce_sum3A_101 = vector.multi_reduction <add>, %add3A_87, %reduce_sum3A_100 [0] : vector<10000x24xf32> to vector<24xf32>
    %div3A_102 = arith.constant 1.000000e+04 : f32
    %div3A_103 = vector.broadcast %div3A_102 : f32 to vector<24xf32>
    %div3A_104 = arith.divf %reduce_sum3A_101, %div3A_103 : vector<24xf32>
    %jit3A_105 = arith.constant 0 : i32
    %reduce_sum3A_106 = arith.constant dense<0.000000e+00> : vector<24xf32>
    %reduce_sum3A_107 = vector.multi_reduction <add>, %add3A_87, %reduce_sum3A_106 [0] : vector<10000x24xf32> to vector<24xf32>
    %broadcast_in_dim3A_108 = vector.shape_cast %reduce_sum3A_107 : vector<24xf32> to vector<1x24xf32>
    %div3A_109 = arith.constant 1.000000e+04 : f32
    %div3A_110 = vector.broadcast %div3A_109 : f32 to vector<1x24xf32>
    %div3A_111 = arith.divf %broadcast_in_dim3A_108, %div3A_110 : vector<1x24xf32>
    %sub3A_112 = vector.broadcast %div3A_111 : vector<1x24xf32> to vector<10000x24xf32>
    %sub3A_113 = arith.subf %add3A_87, %sub3A_112 : vector<10000x24xf32>
    %square3A_114 = arith.mulf %sub3A_113, %sub3A_113 : vector<10000x24xf32>
    %convert_element_type3A_115 = arith.sitofp %jit3A_105 : i32 to f32
    %sub3A_116 = arith.constant 1.000000e+04 : f32
    %sub3A_117 = arith.subf %sub3A_116, %convert_element_type3A_115 : f32
    %reduce_sum3A_118 = arith.constant dense<0.000000e+00> : vector<24xf32>
    %reduce_sum3A_119 = vector.multi_reduction <add>, %square3A_114, %reduce_sum3A_118 [0] : vector<10000x24xf32> to vector<24xf32>
    %div3A_120 = vector.broadcast %sub3A_117 : f32 to vector<24xf32>
    %div3A_121 = arith.divf %reduce_sum3A_119, %div3A_120 : vector<24xf32>
    %gt3A_122 = arith.constant 0.000000e+00 : f32
    %gt3A_123 = arith.cmpf ogt, %sub3A_117, %gt3A_122 : f32
    %jit3A_124 = arith.constant 0x7FC00000 : f32
    %broadcast_in_dim3A_125 = vector.broadcast %jit3A_124 : f32 to vector<24xf32>
    %select_n3A_126 = arith.select %gt3A_123, %div3A_121, %broadcast_in_dim3A_125 : vector<24xf32>
    %broadcast_in_dim3A_127 = vector.shape_cast %div3A_104 : vector<24xf32> to vector<1x24xf32>
    %sub3A_128 = vector.broadcast %broadcast_in_dim3A_127 : vector<1x24xf32> to vector<10000x24xf32>
    %sub3A_129 = arith.subf %add3A_87, %sub3A_128 : vector<10000x24xf32>
    %add3A_130 = arith.constant 9.99999974E-6 : f32
    %add3A_131 = vector.broadcast %add3A_130 : f32 to vector<24xf32>
    %add3A_132 = arith.addf %select_n3A_126, %add3A_131 : vector<24xf32>
    %sqrt3A_133 = math.sqrt %add3A_132 : vector<24xf32>
    %broadcast_in_dim3A_134 = vector.shape_cast %sqrt3A_133 : vector<24xf32> to vector<1x24xf32>
    %div3A_135 = vector.broadcast %broadcast_in_dim3A_134 : vector<1x24xf32> to vector<10000x24xf32>
    %div3A_136 = arith.divf %sub3A_129, %div3A_135 : vector<10000x24xf32>
    %mul3A_137 = vector.broadcast %concatenate3A_93 : vector<1x24xf32> to vector<10000x24xf32>
    %mul3A_138 = arith.mulf %div3A_136, %mul3A_137 : vector<10000x24xf32>
    %add3A_139 = vector.broadcast %concatenate3A_99 : vector<1x24xf32> to vector<10000x24xf32>
    %add3A_140 = arith.addf %mul3A_138, %add3A_139 : vector<10000x24xf32>
    %max3A = arith.constant 0.000000e+00 : f32
    %max3A_141 = vector.broadcast %max3A : f32 to vector<10000x24xf32>
    %max3A_142 = arith.maximumf %add3A_140, %max3A_141 : vector<10000x24xf32>
    %swap3A = arith.constant 0 : index
    %swap3A_143 = arith.constant 0 : index
    %swap3A_144 = vector.load %arg11[%swap3A, %swap3A_143] : memref<10000x24xf32, #tpu.memory_space<vmem>>, vector<10000x24xf32>
    tpu.vector_store %arg11[%swap3A, %swap3A_143], %max3A_142 {strides = array<i32>} : memref<10000x24xf32, #tpu.memory_space<vmem>>, vector<10000x24xf32>,
    return
  }
  func.func @transform_0(%arg0: i32) -> (i32, i32, i32) {
    %c0_i32 = arith.constant 0 : i32
    %c0_i32_0 = arith.constant 0 : i32
    %c0_i32_1 = arith.constant 0 : i32
    %c0_i32_2 = arith.constant 0 : i32
    return %c0_i32, %c0_i32_0, %c0_i32_1 : i32, i32, i32
  }
  func.func @transform_1(%arg0: i32) -> (i32, i32) {
    %c0_i32 = arith.constant 0 : i32
    %c0_i32_0 = arith.constant 0 : i32
    %c0_i32_1 = arith.constant 0 : i32
    return %c0_i32, %c0_i32_0 : i32, i32
  }
  func.func @transform_2(%arg0: i32) -> (i32, i32) {
    %c0_i32 = arith.constant 0 : i32
    %c0_i32_0 = arith.constant 0 : i32
    %c0_i32_1 = arith.constant 0 : i32
    return %c0_i32, %c0_i32_0 : i32, i32
  }
  func.func @transform_3(%arg0: i32) -> (i32, i32) {
    %c0_i32 = arith.constant 0 : i32
    %c0_i32_0 = arith.constant 0 : i32
    %c0_i32_1 = arith.constant 0 : i32
    return %c0_i32, %c0_i32_0 : i32, i32
  }
  func.func @transform_4(%arg0: i32) -> (i32, i32) {
    %c0_i32 = arith.constant 0 : i32
    %c0_i32_0 = arith.constant 0 : i32
    %c0_i32_1 = arith.constant 0 : i32
    return %c0_i32, %c0_i32_0 : i32, i32
  }
  func.func @transform_5(%arg0: i32) -> (i32, i32) {
    %c0_i32 = arith.constant 0 : i32
    %c0_i32_0 = arith.constant 0 : i32
    %c0_i32_1 = arith.constant 0 : i32
    return %c0_i32, %c0_i32_0 : i32, i32
  }
  func.func @transform_6(%arg0: i32) -> (i32, i32) {
    %c0_i32 = arith.constant 0 : i32
    %c0_i32_0 = arith.constant 0 : i32
    %c0_i32_1 = arith.constant 0 : i32
    return %c0_i32, %c0_i32_0 : i32, i32
  }
  func.func @transform_7(%arg0: i32) -> (i32, i32) {
    %c0_i32 = arith.constant 0 : i32
    %c0_i32_0 = arith.constant 0 : i32
    %c0_i32_1 = arith.constant 0 : i32
    return %c0_i32, %c0_i32_0 : i32, i32
  }
  func.func @transform_8(%arg0: i32) -> (i32, i32) {
    %c0_i32 = arith.constant 0 : i32
    %c0_i32_0 = arith.constant 0 : i32
    %c0_i32_1 = arith.constant 0 : i32
    return %c0_i32, %c0_i32_0 : i32, i32
  }
  func.func @transform_9(%arg0: i32) -> (i32, i32) {
    %c0_i32 = arith.constant 0 : i32
    %c0_i32_0 = arith.constant 0 : i32
    %c0_i32_1 = arith.constant 0 : i32
    return %c0_i32, %c0_i32_0 : i32, i32
  }
  func.func @transform_10(%arg0: i32) -> (i32, i32) {
    %c0_i32 = arith.constant 0 : i32
    %c0_i32_0 = arith.constant 0 : i32
    %c0_i32_1 = arith.constant 0 : i32
    return %c0_i32, %c0_i32_0 : i32, i32
  }
}

module attributes {stable_mosaic.version = 14 : i64} {
  func.func @_layer_body(%arg0: i32, %arg1: memref<2x10000x24xf32, #tpu.memory_space<vmem>>, %arg2: memref<10000x24xf32, #tpu.memory_space<vmem>>, %arg3: memref<20x20xf32, #tpu.memory_space<vmem>>, %arg4: memref<1x20xf32, #tpu.memory_space<vmem>>, %arg5: memref<1x20xf32, #tpu.memory_space<vmem>>, %arg6: memref<1x20xf32, #tpu.memory_space<vmem>>, %arg7: memref<20x20xf32, #tpu.memory_space<vmem>>, %arg8: memref<1x20xf32, #tpu.memory_space<vmem>>, %arg9: memref<1x20xf32, #tpu.memory_space<vmem>>, %arg10: memref<1x20xf32, #tpu.memory_space<vmem>>, %arg11: memref<10000x24xf32, #tpu.memory_space<vmem>>) attributes {dimension_semantics = [#tpu.dimension_semantics<arbitrary>], iteration_bounds = array<i64: 1>, scalar_prefetch = 0 : i64, scratch_operands = 0 : i64, tpu.core_type = #tpu.core_type<tc>, window_params = [{transform_indices = @transform_0, window_bounds = array<i64: 2, 10000, 24>}, {pipeline_mode = #tpu.pipeline_mode<synchronous>, transform_indices = @transform_1, window_bounds = array<i64: 10000, 24>}, {pipeline_mode = #tpu.pipeline_mode<synchronous>, transform_indices = @transform_2, window_bounds = array<i64: 20, 20>}, {pipeline_mode = #tpu.pipeline_mode<synchronous>, transform_indices = @transform_3, window_bounds = array<i64: 1, 20>}, {pipeline_mode = #tpu.pipeline_mode<synchronous>, transform_indices = @transform_4, window_bounds = array<i64: 1, 20>}, {pipeline_mode = #tpu.pipeline_mode<synchronous>, transform_indices = @transform_5, window_bounds = array<i64: 1, 20>}, {pipeline_mode = #tpu.pipeline_mode<synchronous>, transform_indices = @transform_6, window_bounds = array<i64: 20, 20>}, {pipeline_mode = #tpu.pipeline_mode<synchronous>, transform_indices = @transform_7, window_bounds = array<i64: 1, 20>}, {pipeline_mode = #tpu.pipeline_mode<synchronous>, transform_indices = @transform_8, window_bounds = array<i64: 1, 20>}, {pipeline_mode = #tpu.pipeline_mode<synchronous>, transform_indices = @transform_9, window_bounds = array<i64: 1, 20>}, {pipeline_mode = #tpu.pipeline_mode<synchronous>, transform_indices = @transform_10, window_bounds = array<i64: 10000, 24>}]} {
    %get3A = arith.constant 0 : index
    %get3A_0 = arith.constant 0 : index
    %get3A_1 = arith.constant 0 : index
    %get3A_2 = vector.load %arg1[%get3A, %get3A_0, %get3A_1] : memref<2x10000x24xf32, #tpu.memory_space<vmem>>, vector<1x10000x24xf32>
    %get3A_3 = vector.shape_cast %get3A_2 : vector<1x10000x24xf32> to vector<10000x24xf32>
    %get3A_4 = arith.constant 1 : index
    %get3A_5 = arith.constant 0 : index
    %get3A_6 = arith.constant 0 : index
    %get3A_7 = vector.load %arg1[%get3A_4, %get3A_5, %get3A_6] : memref<2x10000x24xf32, #tpu.memory_space<vmem>>, vector<1x10000x24xf32>
    %get3A_8 = vector.shape_cast %get3A_7 : vector<1x10000x24xf32> to vector<10000x24xf32>
    %add3A = arith.addf %get3A_3, %get3A_8 : vector<10000x24xf32>
    %get3A_9 = arith.constant 0 : index
    %get3A_10 = arith.constant 0 : index
    %get3A_11 = vector.load %arg2[%get3A_9, %get3A_10] : memref<10000x24xf32, #tpu.memory_space<vmem>>, vector<10000x24xf32>
    %add3A_12 = arith.addf %add3A, %get3A_11 : vector<10000x24xf32>
    %get3A_13 = arith.constant 0 : index
    %get3A_14 = arith.constant 0 : index
    %get3A_15 = vector.load %arg3[%get3A_13, %get3A_14] : memref<20x20xf32, #tpu.memory_space<vmem>>, vector<20x20xf32>
    %broadcast_in_dim3A = arith.constant 0.000000e+00 : f32
    %broadcast_in_dim3A_16 = vector.broadcast %broadcast_in_dim3A : f32 to vector<20x4xf32>
    %concatenate3A = tpu.concatenate %get3A_15, %broadcast_in_dim3A_16 in 1 : vector<20x20xf32>, vector<20x4xf32> -> vector<20x24xf32>
    %broadcast_in_dim3A_17 = arith.constant 0.000000e+00 : f32
    %broadcast_in_dim3A_18 = vector.broadcast %broadcast_in_dim3A_17 : f32 to vector<4x24xf32>
    %concatenate3A_19 = tpu.concatenate %concatenate3A, %broadcast_in_dim3A_18 in 0 : vector<20x24xf32>, vector<4x24xf32> -> vector<24x24xf32>
    %dot_general3A = arith.constant dense<0.000000e+00> : vector<10000x24xf32>
    %dot_general3A_20 = tpu.matmul %add3A_12, %concatenate3A_19, %dot_general3A {dimension_numbers = #tpu.dot_dimension_numbers<[1], [0], [0], [1], [0, 0, 1, 1], [], []>, transpose_lhs_hint = false} : vector<10000x24xf32>, vector<24x24xf32>, vector<10000x24xf32> -> vector<10000x24xf32>
    %get3A_21 = arith.constant 0 : index
    %get3A_22 = arith.constant 0 : index
    %get3A_23 = vector.load %arg4[%get3A_21, %get3A_22] : memref<1x20xf32, #tpu.memory_space<vmem>>, vector<1x20xf32>
    %broadcast_in_dim3A_24 = arith.constant 0.000000e+00 : f32
    %broadcast_in_dim3A_25 = vector.broadcast %broadcast_in_dim3A_24 : f32 to vector<1x4xf32>
    %concatenate3A_26 = tpu.concatenate %get3A_23, %broadcast_in_dim3A_25 in 1 : vector<1x20xf32>, vector<1x4xf32> -> vector<1x24xf32>
    %add3A_27 = vector.broadcast %concatenate3A_26 : vector<1x24xf32> to vector<10000x24xf32>
    %add3A_28 = arith.addf %dot_general3A_20, %add3A_27 : vector<10000x24xf32>
    %get3A_29 = arith.constant 0 : index
    %get3A_30 = arith.constant 0 : index
    %get3A_31 = vector.load %arg5[%get3A_29, %get3A_30] : memref<1x20xf32, #tpu.memory_space<vmem>>, vector<1x20xf32>
    %broadcast_in_dim3A_32 = arith.constant 0.000000e+00 : f32
    %broadcast_in_dim3A_33 = vector.broadcast %broadcast_in_dim3A_32 : f32 to vector<1x4xf32>
    %concatenate3A_34 = tpu.concatenate %get3A_31, %broadcast_in_dim3A_33 in 1 : vector<1x20xf32>, vector<1x4xf32> -> vector<1x24xf32>
    %get3A_35 = arith.constant 0 : index
    %get3A_36 = arith.constant 0 : index
    %get3A_37 = vector.load %arg6[%get3A_35, %get3A_36] : memref<1x20xf32, #tpu.memory_space<vmem>>, vector<1x20xf32>
    %broadcast_in_dim3A_38 = arith.constant 0.000000e+00 : f32
    %broadcast_in_dim3A_39 = vector.broadcast %broadcast_in_dim3A_38 : f32 to vector<1x4xf32>
    %concatenate3A_40 = tpu.concatenate %get3A_37, %broadcast_in_dim3A_39 in 1 : vector<1x20xf32>, vector<1x4xf32> -> vector<1x24xf32>
    %reduce_sum3A = arith.constant dense<0.000000e+00> : vector<24xf32>
    %reduce_sum3A_41 = vector.multi_reduction <add>, %add3A_28, %reduce_sum3A [0] : vector<10000x24xf32> to vector<24xf32>
    %div3A = arith.constant 1.000000e+04 : f32
    %div3A_42 = vector.broadcast %div3A : f32 to vector<24xf32>
    %div3A_43 = arith.divf %reduce_sum3A_41, %div3A_42 : vector<24xf32>
    %jit3A = arith.constant 0 : i32
    %reduce_sum3A_44 = arith.constant dense<0.000000e+00> : vector<24xf32>
    %reduce_sum3A_45 = vector.multi_reduction <add>, %add3A_28, %reduce_sum3A_44 [0] : vector<10000x24xf32> to vector<24xf32>
    %broadcast_in_dim3A_46 = vector.shape_cast %reduce_sum3A_45 : vector<24xf32> to vector<1x24xf32>
    %div3A_47 = arith.constant 1.000000e+04 : f32
    %div3A_48 = vector.broadcast %div3A_47 : f32 to vector<1x24xf32>
    %div3A_49 = arith.divf %broadcast_in_dim3A_46, %div3A_48 : vector<1x24xf32>
    %sub3A = vector.broadcast %div3A_49 : vector<1x24xf32> to vector<10000x24xf32>
    %sub3A_50 = arith.subf %add3A_28, %sub3A : vector<10000x24xf32>
    %square3A = arith.mulf %sub3A_50, %sub3A_50 : vector<10000x24xf32>
    %convert_element_type3A = arith.sitofp %jit3A : i32 to f32
    %sub3A_51 = arith.constant 1.000000e+04 : f32
    %sub3A_52 = arith.subf %sub3A_51, %convert_element_type3A : f32
    %reduce_sum3A_53 = arith.constant dense<0.000000e+00> : vector<24xf32>
    %reduce_sum3A_54 = vector.multi_reduction <add>, %square3A, %reduce_sum3A_53 [0] : vector<10000x24xf32> to vector<24xf32>
    %div3A_55 = vector.broadcast %sub3A_52 : f32 to vector<24xf32>
    %div3A_56 = arith.divf %reduce_sum3A_54, %div3A_55 : vector<24xf32>
    %gt3A = arith.constant 0.000000e+00 : f32
    %gt3A_57 = arith.cmpf ogt, %sub3A_52, %gt3A : f32
    %jit3A_58 = arith.constant 0x7FC00000 : f32
    %broadcast_in_dim3A_59 = vector.broadcast %jit3A_58 : f32 to vector<24xf32>
    %select_n3A = arith.select %gt3A_57, %div3A_56, %broadcast_in_dim3A_59 : vector<24xf32>
    %broadcast_in_dim3A_60 = vector.shape_cast %div3A_43 : vector<24xf32> to vector<1x24xf32>
    %sub3A_61 = vector.broadcast %broadcast_in_dim3A_60 : vector<1x24xf32> to vector<10000x24xf32>
    %sub3A_62 = arith.subf %add3A_28, %sub3A_61 : vector<10000x24xf32>
    %add3A_63 = arith.constant 9.99999974E-6 : f32
    %add3A_64 = vector.broadcast %add3A_63 : f32 to vector<24xf32>
    %add3A_65 = arith.addf %select_n3A, %add3A_64 : vector<24xf32>
    %sqrt3A = math.sqrt %add3A_65 : vector<24xf32>
    %broadcast_in_dim3A_66 = vector.shape_cast %sqrt3A : vector<24xf32> to vector<1x24xf32>
    %div3A_67 = vector.broadcast %broadcast_in_dim3A_66 : vector<1x24xf32> to vector<10000x24xf32>
    %div3A_68 = arith.divf %sub3A_62, %div3A_67 : vector<10000x24xf32>
    %mul3A = vector.broadcast %concatenate3A_34 : vector<1x24xf32> to vector<10000x24xf32>
    %mul3A_69 = arith.mulf %div3A_68, %mul3A : vector<10000x24xf32>
    %add3A_70 = vector.broadcast %concatenate3A_40 : vector<1x24xf32> to vector<10000x24xf32>
    %add3A_71 = arith.addf %mul3A_69, %add3A_70 : vector<10000x24xf32>
    %get3A_72 = arith.constant 0 : index
    %get3A_73 = arith.constant 0 : index
    %get3A_74 = vector.load %arg7[%get3A_72, %get3A_73] : memref<20x20xf32, #tpu.memory_space<vmem>>, vector<20x20xf32>
    %broadcast_in_dim3A_75 = arith.constant 0.000000e+00 : f32
    %broadcast_in_dim3A_76 = vector.broadcast %broadcast_in_dim3A_75 : f32 to vector<20x4xf32>
    %concatenate3A_77 = tpu.concatenate %get3A_74, %broadcast_in_dim3A_76 in 1 : vector<20x20xf32>, vector<20x4xf32> -> vector<20x24xf32>
    %broadcast_in_dim3A_78 = arith.constant 0.000000e+00 : f32
    %broadcast_in_dim3A_79 = vector.broadcast %broadcast_in_dim3A_78 : f32 to vector<4x24xf32>
    %concatenate3A_80 = tpu.concatenate %concatenate3A_77, %broadcast_in_dim3A_79 in 0 : vector<20x24xf32>, vector<4x24xf32> -> vector<24x24xf32>
    %dot_general3A_81 = arith.constant dense<0.000000e+00> : vector<10000x24xf32>
    %dot_general3A_82 = tpu.matmul %add3A_71, %concatenate3A_80, %dot_general3A_81 {dimension_numbers = #tpu.dot_dimension_numbers<[1], [0], [0], [1], [0, 0, 1, 1], [], []>, transpose_lhs_hint = false} : vector<10000x24xf32>, vector<24x24xf32>, vector<10000x24xf32> -> vector<10000x24xf32>
    %get3A_83 = arith.constant 0 : index
    %get3A_84 = arith.constant 0 : index
    %get3A_85 = vector.load %arg8[%get3A_83, %get3A_84] : memref<1x20xf32, #tpu.memory_space<vmem>>, vector<1x20xf32>
    %broadcast_in_dim3A_86 = arith.constant 0.000000e+00 : f32
    %broadcast_in_dim3A_87 = vector.broadcast %broadcast_in_dim3A_86 : f32 to vector<1x4xf32>
    %concatenate3A_88 = tpu.concatenate %get3A_85, %broadcast_in_dim3A_87 in 1 : vector<1x20xf32>, vector<1x4xf32> -> vector<1x24xf32>
    %add3A_89 = vector.broadcast %concatenate3A_88 : vector<1x24xf32> to vector<10000x24xf32>
    %add3A_90 = arith.addf %dot_general3A_82, %add3A_89 : vector<10000x24xf32>
    %get3A_91 = arith.constant 0 : index
    %get3A_92 = arith.constant 0 : index
    %get3A_93 = vector.load %arg9[%get3A_91, %get3A_92] : memref<1x20xf32, #tpu.memory_space<vmem>>, vector<1x20xf32>
    %broadcast_in_dim3A_94 = arith.constant 0.000000e+00 : f32
    %broadcast_in_dim3A_95 = vector.broadcast %broadcast_in_dim3A_94 : f32 to vector<1x4xf32>
    %concatenate3A_96 = tpu.concatenate %get3A_93, %broadcast_in_dim3A_95 in 1 : vector<1x20xf32>, vector<1x4xf32> -> vector<1x24xf32>
    %get3A_97 = arith.constant 0 : index
    %get3A_98 = arith.constant 0 : index
    %get3A_99 = vector.load %arg10[%get3A_97, %get3A_98] : memref<1x20xf32, #tpu.memory_space<vmem>>, vector<1x20xf32>
    %broadcast_in_dim3A_100 = arith.constant 0.000000e+00 : f32
    %broadcast_in_dim3A_101 = vector.broadcast %broadcast_in_dim3A_100 : f32 to vector<1x4xf32>
    %concatenate3A_102 = tpu.concatenate %get3A_99, %broadcast_in_dim3A_101 in 1 : vector<1x20xf32>, vector<1x4xf32> -> vector<1x24xf32>
    %reduce_sum3A_103 = arith.constant dense<0.000000e+00> : vector<24xf32>
    %reduce_sum3A_104 = vector.multi_reduction <add>, %add3A_90, %reduce_sum3A_103 [0] : vector<10000x24xf32> to vector<24xf32>
    %div3A_105 = arith.constant 1.000000e+04 : f32
    %div3A_106 = vector.broadcast %div3A_105 : f32 to vector<24xf32>
    %div3A_107 = arith.divf %reduce_sum3A_104, %div3A_106 : vector<24xf32>
    %jit3A_108 = arith.constant 0 : i32
    %reduce_sum3A_109 = arith.constant dense<0.000000e+00> : vector<24xf32>
    %reduce_sum3A_110 = vector.multi_reduction <add>, %add3A_90, %reduce_sum3A_109 [0] : vector<10000x24xf32> to vector<24xf32>
    %broadcast_in_dim3A_111 = vector.shape_cast %reduce_sum3A_110 : vector<24xf32> to vector<1x24xf32>
    %div3A_112 = arith.constant 1.000000e+04 : f32
    %div3A_113 = vector.broadcast %div3A_112 : f32 to vector<1x24xf32>
    %div3A_114 = arith.divf %broadcast_in_dim3A_111, %div3A_113 : vector<1x24xf32>
    %sub3A_115 = vector.broadcast %div3A_114 : vector<1x24xf32> to vector<10000x24xf32>
    %sub3A_116 = arith.subf %add3A_90, %sub3A_115 : vector<10000x24xf32>
    %square3A_117 = arith.mulf %sub3A_116, %sub3A_116 : vector<10000x24xf32>
    %convert_element_type3A_118 = arith.sitofp %jit3A_108 : i32 to f32
    %sub3A_119 = arith.constant 1.000000e+04 : f32
    %sub3A_120 = arith.subf %sub3A_119, %convert_element_type3A_118 : f32
    %reduce_sum3A_121 = arith.constant dense<0.000000e+00> : vector<24xf32>
    %reduce_sum3A_122 = vector.multi_reduction <add>, %square3A_117, %reduce_sum3A_121 [0] : vector<10000x24xf32> to vector<24xf32>
    %div3A_123 = vector.broadcast %sub3A_120 : f32 to vector<24xf32>
    %div3A_124 = arith.divf %reduce_sum3A_122, %div3A_123 : vector<24xf32>
    %gt3A_125 = arith.constant 0.000000e+00 : f32
    %gt3A_126 = arith.cmpf ogt, %sub3A_120, %gt3A_125 : f32
    %jit3A_127 = arith.constant 0x7FC00000 : f32
    %broadcast_in_dim3A_128 = vector.broadcast %jit3A_127 : f32 to vector<24xf32>
    %select_n3A_129 = arith.select %gt3A_126, %div3A_124, %broadcast_in_dim3A_128 : vector<24xf32>
    %broadcast_in_dim3A_130 = vector.shape_cast %div3A_107 : vector<24xf32> to vector<1x24xf32>
    %sub3A_131 = vector.broadcast %broadcast_in_dim3A_130 : vector<1x24xf32> to vector<10000x24xf32>
    %sub3A_132 = arith.subf %add3A_90, %sub3A_131 : vector<10000x24xf32>
    %add3A_133 = arith.constant 9.99999974E-6 : f32
    %add3A_134 = vector.broadcast %add3A_133 : f32 to vector<24xf32>
    %add3A_135 = arith.addf %select_n3A_129, %add3A_134 : vector<24xf32>
    %sqrt3A_136 = math.sqrt %add3A_135 : vector<24xf32>
    %broadcast_in_dim3A_137 = vector.shape_cast %sqrt3A_136 : vector<24xf32> to vector<1x24xf32>
    %div3A_138 = vector.broadcast %broadcast_in_dim3A_137 : vector<1x24xf32> to vector<10000x24xf32>
    %div3A_139 = arith.divf %sub3A_132, %div3A_138 : vector<10000x24xf32>
    %mul3A_140 = vector.broadcast %concatenate3A_96 : vector<1x24xf32> to vector<10000x24xf32>
    %mul3A_141 = arith.mulf %div3A_139, %mul3A_140 : vector<10000x24xf32>
    %add3A_142 = vector.broadcast %concatenate3A_102 : vector<1x24xf32> to vector<10000x24xf32>
    %add3A_143 = arith.addf %mul3A_141, %add3A_142 : vector<10000x24xf32>
    %max3A = arith.constant 0.000000e+00 : f32
    %max3A_144 = vector.broadcast %max3A : f32 to vector<10000x24xf32>
    %max3A_145 = arith.maximumf %add3A_143, %max3A_144 : vector<10000x24xf32>
    %swap3A = arith.constant 0 : index
    %swap3A_146 = arith.constant 0 : index
    %swap3A_147 = vector.load %arg11[%swap3A, %swap3A_146] : memref<10000x24xf32, #tpu.memory_space<vmem>>, vector<10000x24xf32>
    tpu.vector_store %arg11[%swap3A, %swap3A_146], %max3A_145 {strides = array<i32>} : memref<10000x24xf32, #tpu.memory_space<vmem>>, vector<10000x24xf32>,
    return
  }
  func.func @transform_0(%arg0: i32) -> (i32, i32, i32) {
    %c0_i32 = arith.constant 0 : i32
    %c0_i32_0 = arith.constant 0 : i32
    %c0_i32_1 = arith.constant 0 : i32
    %c0_i32_2 = arith.constant 0 : i32
    return %c0_i32, %c0_i32_0, %c0_i32_1 : i32, i32, i32
  }
  func.func @transform_1(%arg0: i32) -> (i32, i32) {
    %c0_i32 = arith.constant 0 : i32
    %c0_i32_0 = arith.constant 0 : i32
    %c0_i32_1 = arith.constant 0 : i32
    return %c0_i32, %c0_i32_0 : i32, i32
  }
  func.func @transform_2(%arg0: i32) -> (i32, i32) {
    %c0_i32 = arith.constant 0 : i32
    %c0_i32_0 = arith.constant 0 : i32
    %c0_i32_1 = arith.constant 0 : i32
    return %c0_i32, %c0_i32_0 : i32, i32
  }
  func.func @transform_3(%arg0: i32) -> (i32, i32) {
    %c0_i32 = arith.constant 0 : i32
    %c0_i32_0 = arith.constant 0 : i32
    %c0_i32_1 = arith.constant 0 : i32
    return %c0_i32, %c0_i32_0 : i32, i32
  }
  func.func @transform_4(%arg0: i32) -> (i32, i32) {
    %c0_i32 = arith.constant 0 : i32
    %c0_i32_0 = arith.constant 0 : i32
    %c0_i32_1 = arith.constant 0 : i32
    return %c0_i32, %c0_i32_0 : i32, i32
  }
  func.func @transform_5(%arg0: i32) -> (i32, i32) {
    %c0_i32 = arith.constant 0 : i32
    %c0_i32_0 = arith.constant 0 : i32
    %c0_i32_1 = arith.constant 0 : i32
    return %c0_i32, %c0_i32_0 : i32, i32
  }
  func.func @transform_6(%arg0: i32) -> (i32, i32) {
    %c0_i32 = arith.constant 0 : i32
    %c0_i32_0 = arith.constant 0 : i32
    %c0_i32_1 = arith.constant 0 : i32
    return %c0_i32, %c0_i32_0 : i32, i32
  }
  func.func @transform_7(%arg0: i32) -> (i32, i32) {
    %c0_i32 = arith.constant 0 : i32
    %c0_i32_0 = arith.constant 0 : i32
    %c0_i32_1 = arith.constant 0 : i32
    return %c0_i32, %c0_i32_0 : i32, i32
  }
  func.func @transform_8(%arg0: i32) -> (i32, i32) {
    %c0_i32 = arith.constant 0 : i32
    %c0_i32_0 = arith.constant 0 : i32
    %c0_i32_1 = arith.constant 0 : i32
    return %c0_i32, %c0_i32_0 : i32, i32
  }
  func.func @transform_9(%arg0: i32) -> (i32, i32) {
    %c0_i32 = arith.constant 0 : i32
    %c0_i32_0 = arith.constant 0 : i32
    %c0_i32_1 = arith.constant 0 : i32
    return %c0_i32, %c0_i32_0 : i32, i32
  }
  func.func @transform_10(%arg0: i32) -> (i32, i32) {
    %c0_i32 = arith.constant 0 : i32
    %c0_i32_0 = arith.constant 0 : i32
    %c0_i32_1 = arith.constant 0 : i32
    return %c0_i32, %c0_i32_0 : i32, i32
  }
}

module attributes {stable_mosaic.version = 14 : i64} {
  func.func @_final_body(%arg0: i32, %arg1: memref<2x10000x24xf32, #tpu.memory_space<vmem>>, %arg2: memref<10000x24xf32, #tpu.memory_space<vmem>>, %arg3: memref<20x20xf32, #tpu.memory_space<vmem>>, %arg4: memref<1x20xf32, #tpu.memory_space<vmem>>, %arg5: memref<1x20xf32, #tpu.memory_space<vmem>>, %arg6: memref<1x20xf32, #tpu.memory_space<vmem>>, %arg7: memref<20x20xf32, #tpu.memory_space<vmem>>, %arg8: memref<1x20xf32, #tpu.memory_space<vmem>>, %arg9: memref<1x20xf32, #tpu.memory_space<vmem>>, %arg10: memref<1x20xf32, #tpu.memory_space<vmem>>, %arg11: memref<10000x1xf32, #tpu.memory_space<vmem>>, %arg12: memref<10000x1xi32, #tpu.memory_space<vmem>>, %arg13: memref<20x2xf32, #tpu.memory_space<vmem>>, %arg14: memref<1x2xf32, #tpu.memory_space<vmem>>, %arg15: memref<10000x24xf32, #tpu.memory_space<vmem>>, %arg16: memref<32x24xf32, #tpu.memory_space<vmem>>, %arg17: memref<32x24xf32, #tpu.memory_space<vmem>>) attributes {dimension_semantics = [#tpu.dimension_semantics<arbitrary>], iteration_bounds = array<i64: 1>, scalar_prefetch = 0 : i64, scratch_operands = 0 : i64, tpu.core_type = #tpu.core_type<tc>, window_params = [{transform_indices = @transform_0, window_bounds = array<i64: 2, 10000, 24>}, {pipeline_mode = #tpu.pipeline_mode<synchronous>, transform_indices = @transform_1, window_bounds = array<i64: 10000, 24>}, {pipeline_mode = #tpu.pipeline_mode<synchronous>, transform_indices = @transform_2, window_bounds = array<i64: 20, 20>}, {pipeline_mode = #tpu.pipeline_mode<synchronous>, transform_indices = @transform_3, window_bounds = array<i64: 1, 20>}, {pipeline_mode = #tpu.pipeline_mode<synchronous>, transform_indices = @transform_4, window_bounds = array<i64: 1, 20>}, {pipeline_mode = #tpu.pipeline_mode<synchronous>, transform_indices = @transform_5, window_bounds = array<i64: 1, 20>}, {pipeline_mode = #tpu.pipeline_mode<synchronous>, transform_indices = @transform_6, window_bounds = array<i64: 20, 20>}, {pipeline_mode = #tpu.pipeline_mode<synchronous>, transform_indices = @transform_7, window_bounds = array<i64: 1, 20>}, {pipeline_mode = #tpu.pipeline_mode<synchronous>, transform_indices = @transform_8, window_bounds = array<i64: 1, 20>}, {pipeline_mode = #tpu.pipeline_mode<synchronous>, transform_indices = @transform_9, window_bounds = array<i64: 1, 20>}, {pipeline_mode = #tpu.pipeline_mode<synchronous>, transform_indices = @transform_10, window_bounds = array<i64: 10000, 1>}, {pipeline_mode = #tpu.pipeline_mode<synchronous>, transform_indices = @transform_11, window_bounds = array<i64: 10000, 1>}, {pipeline_mode = #tpu.pipeline_mode<synchronous>, transform_indices = @transform_12, window_bounds = array<i64: 20, 2>}, {pipeline_mode = #tpu.pipeline_mode<synchronous>, transform_indices = @transform_13, window_bounds = array<i64: 1, 2>}, {pipeline_mode = #tpu.pipeline_mode<synchronous>, transform_indices = @transform_14, window_bounds = array<i64: 10000, 24>}, {pipeline_mode = #tpu.pipeline_mode<synchronous>, transform_indices = @transform_15, window_bounds = array<i64: 32, 24>}, {pipeline_mode = #tpu.pipeline_mode<synchronous>, transform_indices = @transform_16, window_bounds = array<i64: 32, 24>}]} {
    %get3A = arith.constant 0 : index
    %get3A_0 = arith.constant 0 : index
    %get3A_1 = arith.constant 0 : index
    %get3A_2 = vector.load %arg1[%get3A, %get3A_0, %get3A_1] : memref<2x10000x24xf32, #tpu.memory_space<vmem>>, vector<1x10000x24xf32>
    %get3A_3 = vector.shape_cast %get3A_2 : vector<1x10000x24xf32> to vector<10000x24xf32>
    %get3A_4 = arith.constant 1 : index
    %get3A_5 = arith.constant 0 : index
    %get3A_6 = arith.constant 0 : index
    %get3A_7 = vector.load %arg1[%get3A_4, %get3A_5, %get3A_6] : memref<2x10000x24xf32, #tpu.memory_space<vmem>>, vector<1x10000x24xf32>
    %get3A_8 = vector.shape_cast %get3A_7 : vector<1x10000x24xf32> to vector<10000x24xf32>
    %add3A = arith.addf %get3A_3, %get3A_8 : vector<10000x24xf32>
    %get3A_9 = arith.constant 0 : index
    %get3A_10 = arith.constant 0 : index
    %get3A_11 = vector.load %arg2[%get3A_9, %get3A_10] : memref<10000x24xf32, #tpu.memory_space<vmem>>, vector<10000x24xf32>
    %add3A_12 = arith.addf %add3A, %get3A_11 : vector<10000x24xf32>
    %get3A_13 = arith.constant 0 : index
    %get3A_14 = arith.constant 0 : index
    %get3A_15 = vector.load %arg3[%get3A_13, %get3A_14] : memref<20x20xf32, #tpu.memory_space<vmem>>, vector<20x20xf32>
    %broadcast_in_dim3A = arith.constant 0.000000e+00 : f32
    %broadcast_in_dim3A_16 = vector.broadcast %broadcast_in_dim3A : f32 to vector<20x4xf32>
    %concatenate3A = tpu.concatenate %get3A_15, %broadcast_in_dim3A_16 in 1 : vector<20x20xf32>, vector<20x4xf32> -> vector<20x24xf32>
    %broadcast_in_dim3A_17 = arith.constant 0.000000e+00 : f32
    %broadcast_in_dim3A_18 = vector.broadcast %broadcast_in_dim3A_17 : f32 to vector<4x24xf32>
    %concatenate3A_19 = tpu.concatenate %concatenate3A, %broadcast_in_dim3A_18 in 0 : vector<20x24xf32>, vector<4x24xf32> -> vector<24x24xf32>
    %dot_general3A = arith.constant dense<0.000000e+00> : vector<10000x24xf32>
    %dot_general3A_20 = tpu.matmul %add3A_12, %concatenate3A_19, %dot_general3A {dimension_numbers = #tpu.dot_dimension_numbers<[1], [0], [0], [1], [0, 0, 1, 1], [], []>, transpose_lhs_hint = false} : vector<10000x24xf32>, vector<24x24xf32>, vector<10000x24xf32> -> vector<10000x24xf32>
    %get3A_21 = arith.constant 0 : index
    %get3A_22 = arith.constant 0 : index
    %get3A_23 = vector.load %arg4[%get3A_21, %get3A_22] : memref<1x20xf32, #tpu.memory_space<vmem>>, vector<1x20xf32>
    %broadcast_in_dim3A_24 = arith.constant 0.000000e+00 : f32
    %broadcast_in_dim3A_25 = vector.broadcast %broadcast_in_dim3A_24 : f32 to vector<1x4xf32>
    %concatenate3A_26 = tpu.concatenate %get3A_23, %broadcast_in_dim3A_25 in 1 : vector<1x20xf32>, vector<1x4xf32> -> vector<1x24xf32>
    %add3A_27 = vector.broadcast %concatenate3A_26 : vector<1x24xf32> to vector<10000x24xf32>
    %add3A_28 = arith.addf %dot_general3A_20, %add3A_27 : vector<10000x24xf32>
    %get3A_29 = arith.constant 0 : index
    %get3A_30 = arith.constant 0 : index
    %get3A_31 = vector.load %arg5[%get3A_29, %get3A_30] : memref<1x20xf32, #tpu.memory_space<vmem>>, vector<1x20xf32>
    %broadcast_in_dim3A_32 = arith.constant 0.000000e+00 : f32
    %broadcast_in_dim3A_33 = vector.broadcast %broadcast_in_dim3A_32 : f32 to vector<1x4xf32>
    %concatenate3A_34 = tpu.concatenate %get3A_31, %broadcast_in_dim3A_33 in 1 : vector<1x20xf32>, vector<1x4xf32> -> vector<1x24xf32>
    %get3A_35 = arith.constant 0 : index
    %get3A_36 = arith.constant 0 : index
    %get3A_37 = vector.load %arg6[%get3A_35, %get3A_36] : memref<1x20xf32, #tpu.memory_space<vmem>>, vector<1x20xf32>
    %broadcast_in_dim3A_38 = arith.constant 0.000000e+00 : f32
    %broadcast_in_dim3A_39 = vector.broadcast %broadcast_in_dim3A_38 : f32 to vector<1x4xf32>
    %concatenate3A_40 = tpu.concatenate %get3A_37, %broadcast_in_dim3A_39 in 1 : vector<1x20xf32>, vector<1x4xf32> -> vector<1x24xf32>
    %reduce_sum3A = arith.constant dense<0.000000e+00> : vector<24xf32>
    %reduce_sum3A_41 = vector.multi_reduction <add>, %add3A_28, %reduce_sum3A [0] : vector<10000x24xf32> to vector<24xf32>
    %div3A = arith.constant 1.000000e+04 : f32
    %div3A_42 = vector.broadcast %div3A : f32 to vector<24xf32>
    %div3A_43 = arith.divf %reduce_sum3A_41, %div3A_42 : vector<24xf32>
    %jit3A = arith.constant 0 : i32
    %reduce_sum3A_44 = arith.constant dense<0.000000e+00> : vector<24xf32>
    %reduce_sum3A_45 = vector.multi_reduction <add>, %add3A_28, %reduce_sum3A_44 [0] : vector<10000x24xf32> to vector<24xf32>
    %broadcast_in_dim3A_46 = vector.shape_cast %reduce_sum3A_45 : vector<24xf32> to vector<1x24xf32>
    %div3A_47 = arith.constant 1.000000e+04 : f32
    %div3A_48 = vector.broadcast %div3A_47 : f32 to vector<1x24xf32>
    %div3A_49 = arith.divf %broadcast_in_dim3A_46, %div3A_48 : vector<1x24xf32>
    %sub3A = vector.broadcast %div3A_49 : vector<1x24xf32> to vector<10000x24xf32>
    %sub3A_50 = arith.subf %add3A_28, %sub3A : vector<10000x24xf32>
    %square3A = arith.mulf %sub3A_50, %sub3A_50 : vector<10000x24xf32>
    %convert_element_type3A = arith.sitofp %jit3A : i32 to f32
    %sub3A_51 = arith.constant 1.000000e+04 : f32
    %sub3A_52 = arith.subf %sub3A_51, %convert_element_type3A : f32
    %reduce_sum3A_53 = arith.constant dense<0.000000e+00> : vector<24xf32>
    %reduce_sum3A_54 = vector.multi_reduction <add>, %square3A, %reduce_sum3A_53 [0] : vector<10000x24xf32> to vector<24xf32>
    %div3A_55 = vector.broadcast %sub3A_52 : f32 to vector<24xf32>
    %div3A_56 = arith.divf %reduce_sum3A_54, %div3A_55 : vector<24xf32>
    %gt3A = arith.constant 0.000000e+00 : f32
    %gt3A_57 = arith.cmpf ogt, %sub3A_52, %gt3A : f32
    %jit3A_58 = arith.constant 0x7FC00000 : f32
    %broadcast_in_dim3A_59 = vector.broadcast %jit3A_58 : f32 to vector<24xf32>
    %select_n3A = arith.select %gt3A_57, %div3A_56, %broadcast_in_dim3A_59 : vector<24xf32>
    %broadcast_in_dim3A_60 = vector.shape_cast %div3A_43 : vector<24xf32> to vector<1x24xf32>
    %sub3A_61 = vector.broadcast %broadcast_in_dim3A_60 : vector<1x24xf32> to vector<10000x24xf32>
    %sub3A_62 = arith.subf %add3A_28, %sub3A_61 : vector<10000x24xf32>
    %add3A_63 = arith.constant 9.99999974E-6 : f32
    %add3A_64 = vector.broadcast %add3A_63 : f32 to vector<24xf32>
    %add3A_65 = arith.addf %select_n3A, %add3A_64 : vector<24xf32>
    %sqrt3A = math.sqrt %add3A_65 : vector<24xf32>
    %broadcast_in_dim3A_66 = vector.shape_cast %sqrt3A : vector<24xf32> to vector<1x24xf32>
    %div3A_67 = vector.broadcast %broadcast_in_dim3A_66 : vector<1x24xf32> to vector<10000x24xf32>
    %div3A_68 = arith.divf %sub3A_62, %div3A_67 : vector<10000x24xf32>
    %mul3A = vector.broadcast %concatenate3A_34 : vector<1x24xf32> to vector<10000x24xf32>
    %mul3A_69 = arith.mulf %div3A_68, %mul3A : vector<10000x24xf32>
    %add3A_70 = vector.broadcast %concatenate3A_40 : vector<1x24xf32> to vector<10000x24xf32>
    %add3A_71 = arith.addf %mul3A_69, %add3A_70 : vector<10000x24xf32>
    %get3A_72 = arith.constant 0 : index
    %get3A_73 = arith.constant 0 : index
    %get3A_74 = vector.load %arg7[%get3A_72, %get3A_73] : memref<20x20xf32, #tpu.memory_space<vmem>>, vector<20x20xf32>
    %broadcast_in_dim3A_75 = arith.constant 0.000000e+00 : f32
    %broadcast_in_dim3A_76 = vector.broadcast %broadcast_in_dim3A_75 : f32 to vector<20x4xf32>
    %concatenate3A_77 = tpu.concatenate %get3A_74, %broadcast_in_dim3A_76 in 1 : vector<20x20xf32>, vector<20x4xf32> -> vector<20x24xf32>
    %broadcast_in_dim3A_78 = arith.constant 0.000000e+00 : f32
    %broadcast_in_dim3A_79 = vector.broadcast %broadcast_in_dim3A_78 : f32 to vector<4x24xf32>
    %concatenate3A_80 = tpu.concatenate %concatenate3A_77, %broadcast_in_dim3A_79 in 0 : vector<20x24xf32>, vector<4x24xf32> -> vector<24x24xf32>
    %dot_general3A_81 = arith.constant dense<0.000000e+00> : vector<10000x24xf32>
    %dot_general3A_82 = tpu.matmul %add3A_71, %concatenate3A_80, %dot_general3A_81 {dimension_numbers = #tpu.dot_dimension_numbers<[1], [0], [0], [1], [0, 0, 1, 1], [], []>, transpose_lhs_hint = false} : vector<10000x24xf32>, vector<24x24xf32>, vector<10000x24xf32> -> vector<10000x24xf32>
    %get3A_83 = arith.constant 0 : index
    %get3A_84 = arith.constant 0 : index
    %get3A_85 = vector.load %arg8[%get3A_83, %get3A_84] : memref<1x20xf32, #tpu.memory_space<vmem>>, vector<1x20xf32>
    %broadcast_in_dim3A_86 = arith.constant 0.000000e+00 : f32
    %broadcast_in_dim3A_87 = vector.broadcast %broadcast_in_dim3A_86 : f32 to vector<1x4xf32>
    %concatenate3A_88 = tpu.concatenate %get3A_85, %broadcast_in_dim3A_87 in 1 : vector<1x20xf32>, vector<1x4xf32> -> vector<1x24xf32>
    %add3A_89 = vector.broadcast %concatenate3A_88 : vector<1x24xf32> to vector<10000x24xf32>
    %add3A_90 = arith.addf %dot_general3A_82, %add3A_89 : vector<10000x24xf32>
    %get3A_91 = arith.constant 0 : index
    %get3A_92 = arith.constant 0 : index
    %get3A_93 = vector.load %arg9[%get3A_91, %get3A_92] : memref<1x20xf32, #tpu.memory_space<vmem>>, vector<1x20xf32>
    %broadcast_in_dim3A_94 = arith.constant 0.000000e+00 : f32
    %broadcast_in_dim3A_95 = vector.broadcast %broadcast_in_dim3A_94 : f32 to vector<1x4xf32>
    %concatenate3A_96 = tpu.concatenate %get3A_93, %broadcast_in_dim3A_95 in 1 : vector<1x20xf32>, vector<1x4xf32> -> vector<1x24xf32>
    %get3A_97 = arith.constant 0 : index
    %get3A_98 = arith.constant 0 : index
    %get3A_99 = vector.load %arg10[%get3A_97, %get3A_98] : memref<1x20xf32, #tpu.memory_space<vmem>>, vector<1x20xf32>
    %broadcast_in_dim3A_100 = arith.constant 0.000000e+00 : f32
    %broadcast_in_dim3A_101 = vector.broadcast %broadcast_in_dim3A_100 : f32 to vector<1x4xf32>
    %concatenate3A_102 = tpu.concatenate %get3A_99, %broadcast_in_dim3A_101 in 1 : vector<1x20xf32>, vector<1x4xf32> -> vector<1x24xf32>
    %reduce_sum3A_103 = arith.constant dense<0.000000e+00> : vector<24xf32>
    %reduce_sum3A_104 = vector.multi_reduction <add>, %add3A_90, %reduce_sum3A_103 [0] : vector<10000x24xf32> to vector<24xf32>
    %div3A_105 = arith.constant 1.000000e+04 : f32
    %div3A_106 = vector.broadcast %div3A_105 : f32 to vector<24xf32>
    %div3A_107 = arith.divf %reduce_sum3A_104, %div3A_106 : vector<24xf32>
    %jit3A_108 = arith.constant 0 : i32
    %reduce_sum3A_109 = arith.constant dense<0.000000e+00> : vector<24xf32>
    %reduce_sum3A_110 = vector.multi_reduction <add>, %add3A_90, %reduce_sum3A_109 [0] : vector<10000x24xf32> to vector<24xf32>
    %broadcast_in_dim3A_111 = vector.shape_cast %reduce_sum3A_110 : vector<24xf32> to vector<1x24xf32>
    %div3A_112 = arith.constant 1.000000e+04 : f32
    %div3A_113 = vector.broadcast %div3A_112 : f32 to vector<1x24xf32>
    %div3A_114 = arith.divf %broadcast_in_dim3A_111, %div3A_113 : vector<1x24xf32>
    %sub3A_115 = vector.broadcast %div3A_114 : vector<1x24xf32> to vector<10000x24xf32>
    %sub3A_116 = arith.subf %add3A_90, %sub3A_115 : vector<10000x24xf32>
    %square3A_117 = arith.mulf %sub3A_116, %sub3A_116 : vector<10000x24xf32>
    %convert_element_type3A_118 = arith.sitofp %jit3A_108 : i32 to f32
    %sub3A_119 = arith.constant 1.000000e+04 : f32
    %sub3A_120 = arith.subf %sub3A_119, %convert_element_type3A_118 : f32
    %reduce_sum3A_121 = arith.constant dense<0.000000e+00> : vector<24xf32>
    %reduce_sum3A_122 = vector.multi_reduction <add>, %square3A_117, %reduce_sum3A_121 [0] : vector<10000x24xf32> to vector<24xf32>
    %div3A_123 = vector.broadcast %sub3A_120 : f32 to vector<24xf32>
    %div3A_124 = arith.divf %reduce_sum3A_122, %div3A_123 : vector<24xf32>
    %gt3A_125 = arith.constant 0.000000e+00 : f32
    %gt3A_126 = arith.cmpf ogt, %sub3A_120, %gt3A_125 : f32
    %jit3A_127 = arith.constant 0x7FC00000 : f32
    %broadcast_in_dim3A_128 = vector.broadcast %jit3A_127 : f32 to vector<24xf32>
    %select_n3A_129 = arith.select %gt3A_126, %div3A_124, %broadcast_in_dim3A_128 : vector<24xf32>
    %broadcast_in_dim3A_130 = vector.shape_cast %div3A_107 : vector<24xf32> to vector<1x24xf32>
    %sub3A_131 = vector.broadcast %broadcast_in_dim3A_130 : vector<1x24xf32> to vector<10000x24xf32>
    %sub3A_132 = arith.subf %add3A_90, %sub3A_131 : vector<10000x24xf32>
    %add3A_133 = arith.constant 9.99999974E-6 : f32
    %add3A_134 = vector.broadcast %add3A_133 : f32 to vector<24xf32>
    %add3A_135 = arith.addf %select_n3A_129, %add3A_134 : vector<24xf32>
    %sqrt3A_136 = math.sqrt %add3A_135 : vector<24xf32>
    %broadcast_in_dim3A_137 = vector.shape_cast %sqrt3A_136 : vector<24xf32> to vector<1x24xf32>
    %div3A_138 = vector.broadcast %broadcast_in_dim3A_137 : vector<1x24xf32> to vector<10000x24xf32>
    %div3A_139 = arith.divf %sub3A_132, %div3A_138 : vector<10000x24xf32>
    %mul3A_140 = vector.broadcast %concatenate3A_96 : vector<1x24xf32> to vector<10000x24xf32>
    %mul3A_141 = arith.mulf %div3A_139, %mul3A_140 : vector<10000x24xf32>
    %add3A_142 = vector.broadcast %concatenate3A_102 : vector<1x24xf32> to vector<10000x24xf32>
    %add3A_143 = arith.addf %mul3A_141, %add3A_142 : vector<10000x24xf32>
    %max3A = arith.constant 0.000000e+00 : f32
    %max3A_144 = vector.broadcast %max3A : f32 to vector<10000x24xf32>
    %max3A_145 = arith.maximumf %add3A_143, %max3A_144 : vector<10000x24xf32>
    %swap3A = arith.constant 0 : index
    %swap3A_146 = arith.constant 0 : index
    %swap3A_147 = vector.load %arg15[%swap3A, %swap3A_146] : memref<10000x24xf32, #tpu.memory_space<vmem>>, vector<10000x24xf32>
    tpu.vector_store %arg15[%swap3A, %swap3A_146], %max3A_145 {strides = array<i32>} : memref<10000x24xf32, #tpu.memory_space<vmem>>, vector<10000x24xf32>,
    %iota3A = tpu.iota {dimensions = array<i32: 1>} : vector<10000x32xi32>
    %get3A_148 = arith.constant 0 : index
    %get3A_149 = arith.constant 0 : index
    %get3A_150 = vector.load %arg12[%get3A_148, %get3A_149] : memref<10000x1xi32, #tpu.memory_space<vmem>>, vector<10000x1xi32>
    %eq3A = vector.broadcast %get3A_150 : vector<10000x1xi32> to vector<10000x32xi32>
    %eq3A_151 = arith.cmpi eq, %eq3A, %iota3A : vector<10000x32xi32>
    %convert_element_type3A_152 = arith.extui %eq3A_151 : vector<10000x32xi1> to vector<10000x32xi32>
    %convert_element_type3A_153 = arith.sitofp %convert_element_type3A_152 : vector<10000x32xi32> to vector<10000x32xf32>
    %get3A_154 = arith.constant 0 : index
    %get3A_155 = arith.constant 0 : index
    %get3A_156 = vector.load %arg11[%get3A_154, %get3A_155] : memref<10000x1xf32, #tpu.memory_space<vmem>>, vector<10000x1xf32>
    %mul3A_157 = vector.broadcast %get3A_156 : vector<10000x1xf32> to vector<10000x32xf32>
    %mul3A_158 = arith.mulf %convert_element_type3A_153, %mul3A_157 : vector<10000x32xf32>
    %dot_general3A_159 = arith.constant dense<0.000000e+00> : vector<32x24xf32>
    %dot_general3A_160 = tpu.matmul %mul3A_158, %max3A_145, %dot_general3A_159 {dimension_numbers = #tpu.dot_dimension_numbers<[0], [0], [1], [1], [0, 1, 1, 1], [], []>, precision = #tpu.contract_precision<fp32>, transpose_lhs_hint = false} : vector<10000x32xf32>, vector<10000x24xf32>, vector<32x24xf32> -> vector<32x24xf32>
    %swap3A_161 = arith.constant 0 : index
    %swap3A_162 = arith.constant 0 : index
    %swap3A_163 = vector.load %arg16[%swap3A_161, %swap3A_162] : memref<32x24xf32, #tpu.memory_space<vmem>>, vector<32x24xf32>
    tpu.vector_store %arg16[%swap3A_161, %swap3A_162], %dot_general3A_160 {strides = array<i32>} : memref<32x24xf32, #tpu.memory_space<vmem>>, vector<32x24xf32>,
    %get3A_164 = arith.constant 0 : index
    %get3A_165 = arith.constant 0 : index
    %get3A_166 = vector.load %arg13[%get3A_164, %get3A_165] : memref<20x2xf32, #tpu.memory_space<vmem>>, vector<20x2xf32>
    %broadcast_in_dim3A_167 = arith.constant 0.000000e+00 : f32
    %broadcast_in_dim3A_168 = vector.broadcast %broadcast_in_dim3A_167 : f32 to vector<20x22xf32>
    %concatenate3A_169 = tpu.concatenate %get3A_166, %broadcast_in_dim3A_168 in 1 : vector<20x2xf32>, vector<20x22xf32> -> vector<20x24xf32>
    %broadcast_in_dim3A_170 = arith.constant 0.000000e+00 : f32
    %broadcast_in_dim3A_171 = vector.broadcast %broadcast_in_dim3A_170 : f32 to vector<4x24xf32>
    %concatenate3A_172 = tpu.concatenate %concatenate3A_169, %broadcast_in_dim3A_171 in 0 : vector<20x24xf32>, vector<4x24xf32> -> vector<24x24xf32>
    %get3A_173 = arith.constant 0 : index
    %get3A_174 = arith.constant 0 : index
    %get3A_175 = vector.load %arg14[%get3A_173, %get3A_174] : memref<1x2xf32, #tpu.memory_space<vmem>>, vector<1x2xf32>
    %broadcast_in_dim3A_176 = arith.constant 0.000000e+00 : f32
    %broadcast_in_dim3A_177 = vector.broadcast %broadcast_in_dim3A_176 : f32 to vector<1x22xf32>
    %concatenate3A_178 = tpu.concatenate %get3A_175, %broadcast_in_dim3A_177 in 1 : vector<1x2xf32>, vector<1x22xf32> -> vector<1x24xf32>
    %dot_general3A_179 = arith.constant dense<0.000000e+00> : vector<32x24xf32>
    %dot_general3A_180 = tpu.matmul %dot_general3A_160, %concatenate3A_172, %dot_general3A_179 {dimension_numbers = #tpu.dot_dimension_numbers<[1], [0], [0], [1], [0, 0, 1, 1], [], []>, transpose_lhs_hint = false} : vector<32x24xf32>, vector<24x24xf32>, vector<32x24xf32> -> vector<32x24xf32>
    %add3A_181 = vector.broadcast %concatenate3A_178 : vector<1x24xf32> to vector<32x24xf32>
    %add3A_182 = arith.addf %dot_general3A_180, %add3A_181 : vector<32x24xf32>
    %swap3A_183 = arith.constant 0 : index
    %swap3A_184 = arith.constant 0 : index
    %swap3A_185 = vector.load %arg17[%swap3A_183, %swap3A_184] : memref<32x24xf32, #tpu.memory_space<vmem>>, vector<32x24xf32>
    tpu.vector_store %arg17[%swap3A_183, %swap3A_184], %add3A_182 {strides = array<i32>} : memref<32x24xf32, #tpu.memory_space<vmem>>, vector<32x24xf32>,
    return
  }
  func.func @transform_0(%arg0: i32) -> (i32, i32, i32) {
    %c0_i32 = arith.constant 0 : i32
    %c0_i32_0 = arith.constant 0 : i32
    %c0_i32_1 = arith.constant 0 : i32
    %c0_i32_2 = arith.constant 0 : i32
    return %c0_i32, %c0_i32_0, %c0_i32_1 : i32, i32, i32
  }
  func.func @transform_1(%arg0: i32) -> (i32, i32) {
    %c0_i32 = arith.constant 0 : i32
    %c0_i32_0 = arith.constant 0 : i32
    %c0_i32_1 = arith.constant 0 : i32
    return %c0_i32, %c0_i32_0 : i32, i32
  }
  func.func @transform_2(%arg0: i32) -> (i32, i32) {
    %c0_i32 = arith.constant 0 : i32
    %c0_i32_0 = arith.constant 0 : i32
    %c0_i32_1 = arith.constant 0 : i32
    return %c0_i32, %c0_i32_0 : i32, i32
  }
  func.func @transform_3(%arg0: i32) -> (i32, i32) {
    %c0_i32 = arith.constant 0 : i32
    %c0_i32_0 = arith.constant 0 : i32
    %c0_i32_1 = arith.constant 0 : i32
    return %c0_i32, %c0_i32_0 : i32, i32
  }
  func.func @transform_4(%arg0: i32) -> (i32, i32) {
    %c0_i32 = arith.constant 0 : i32
    %c0_i32_0 = arith.constant 0 : i32
    %c0_i32_1 = arith.constant 0 : i32
    return %c0_i32, %c0_i32_0 : i32, i32
  }
  func.func @transform_5(%arg0: i32) -> (i32, i32) {
    %c0_i32 = arith.constant 0 : i32
    %c0_i32_0 = arith.constant 0 : i32
    %c0_i32_1 = arith.constant 0 : i32
    return %c0_i32, %c0_i32_0 : i32, i32
  }
  func.func @transform_6(%arg0: i32) -> (i32, i32) {
    %c0_i32 = arith.constant 0 : i32
    %c0_i32_0 = arith.constant 0 : i32
    %c0_i32_1 = arith.constant 0 : i32
    return %c0_i32, %c0_i32_0 : i32, i32
  }
  func.func @transform_7(%arg0: i32) -> (i32, i32) {
    %c0_i32 = arith.constant 0 : i32
    %c0_i32_0 = arith.constant 0 : i32
    %c0_i32_1 = arith.constant 0 : i32
    return %c0_i32, %c0_i32_0 : i32, i32
  }
  func.func @transform_8(%arg0: i32) -> (i32, i32) {
    %c0_i32 = arith.constant 0 : i32
    %c0_i32_0 = arith.constant 0 : i32
    %c0_i32_1 = arith.constant 0 : i32
    return %c0_i32, %c0_i32_0 : i32, i32
  }
  func.func @transform_9(%arg0: i32) -> (i32, i32) {
    %c0_i32 = arith.constant 0 : i32
    %c0_i32_0 = arith.constant 0 : i32
    %c0_i32_1 = arith.constant 0 : i32
    return %c0_i32, %c0_i32_0 : i32, i32
  }
  func.func @transform_10(%arg0: i32) -> (i32, i32) {
    %c0_i32 = arith.constant 0 : i32
    %c0_i32_0 = arith.constant 0 : i32
    %c0_i32_1 = arith.constant 0 : i32
    return %c0_i32, %c0_i32_0 : i32, i32
  }
  func.func @transform_11(%arg0: i32) -> (i32, i32) {
    %c0_i32 = arith.constant 0 : i32
    %c0_i32_0 = arith.constant 0 : i32
    %c0_i32_1 = arith.constant 0 : i32
    return %c0_i32, %c0_i32_0 : i32, i32
  }
  func.func @transform_12(%arg0: i32) -> (i32, i32) {
    %c0_i32 = arith.constant 0 : i32
    %c0_i32_0 = arith.constant 0 : i32
    %c0_i32_1 = arith.constant 0 : i32
    return %c0_i32, %c0_i32_0 : i32, i32
  }
  func.func @transform_13(%arg0: i32) -> (i32, i32) {
    %c0_i32 = arith.constant 0 : i32
    %c0_i32_0 = arith.constant 0 : i32
    %c0_i32_1 = arith.constant 0 : i32
    return %c0_i32, %c0_i32_0 : i32, i32
  }
  func.func @transform_14(%arg0: i32) -> (i32, i32) {
    %c0_i32 = arith.constant 0 : i32
    %c0_i32_0 = arith.constant 0 : i32
    %c0_i32_1 = arith.constant 0 : i32
    return %c0_i32, %c0_i32_0 : i32, i32
  }
  func.func @transform_15(%arg0: i32) -> (i32, i32) {
    %c0_i32 = arith.constant 0 : i32
    %c0_i32_0 = arith.constant 0 : i32
    %c0_i32_1 = arith.constant 0 : i32
    return %c0_i32, %c0_i32_0 : i32, i32
  }
  func.func @transform_16(%arg0: i32) -> (i32, i32) {
    %c0_i32 = arith.constant 0 : i32
    %c0_i32_0 = arith.constant 0 : i32
    %c0_i32_1 = arith.constant 0 : i32
    return %c0_i32, %c0_i32_0 : i32, i32
  }
}

</mosaic_0001>

<sc_bundles>
// kernel: kernel.11.cloned.1.call-start
scs
__scs_entry_jumppad:
0x0: {  	(pc) =	sbr.rel $0x88, $3  }
0x1: {  	(tag) =	ssettag $0x0;
	lr =	simm.s32 $0x1  }
0x2: {  	[smem:$0x3F83] =	sst lr;
	_ =	strace $0xD0000000  }
0x3: {  	_ = 	snop  }
0x4: {  	_ = 	snop  }
0x5: {  	_ = 	snop  }
0x6: {  	_ = 	snop  }
0x7: {  	_ = 	snop  }
__scs_overlays_trampoline_lowered:
0x8: {  	[smem:$0x3F92] =	sst s0  }
0x9: {  	[smem:$0x3F93] =	sst s1  }
0xa: {  	[smem:$0x3F94] =	sst s2  }
0xb: {  	[smem:$0x3F95] =	sst s3  }
0xc: {  	[smem:$0x3F96] =	sst s4  }
0xd: {  	[smem:$0x3F97] =	sst s5  }
0xe: {  	[smem:$0x3F98] =	sst s6  }
0xf: {  	[smem:$0x3F99] =	sst s7  }
0x10: {  	[smem:$0x3F9A] =	sst s8  }
0x11: {  	[smem:$0x3F9B] =	sst s9;
	s0 =	simm.s32 @!p0 $0x0  }
0x12: {  	s1 =	sld [smem:$0x3F81];
	s0 =	simm.s32 @p0 $0x1  }
0x13: {  	[smem:$0x3F9C] =	sst s0;
	s0 =	simm.s32 @!p1 $0x0  }
0x14: {  	s2 =	sld [smem:$0x3F80];
	s0 =	simm.s32 @p1 $0x1  }
0x15: {  	[smem:$0x3F9D] =	sst s0;
	s0 =	simm.s32 @!p2 $0x0  }
0x16: {  	s3 =	sld [smem:$0x3FDB];
	s0 =	simm.s32 @p2 $0x1  }
0x17: {  	s4 =	simm.s32 $0x1BF5;
	[smem:$0x3F9F] =	sst s0  }
0x18: {  	s0 =	sld [smem:$0x3F82];
	_ =	swait.ge [sflag:s4], $0x0  }
0x19: {  	s7 =	sld [smem:$0x3F83]  }
0x1a: {  	s8 =	sadd.s32 $0xFFFFE003, lr  }
0x1b: {  	s9 =	sadd.s32 $0xFFFFFEF7, lr;
	s5 =	simm.s32 $0xFFFFFFFF;
	p2 =	slt.u32 s8, $0xFFFFF086  }
0x1c: {  	p1 =	slt.u32 s9, $0xF7A;
	s5 =	simm.s32 @!p2 $0x0  }
0x1d: {  	s5 =	simm.s32 @p1 $0x1;
	p0 =	seq.s32 s7, s2  }
0x1e: {  	s7 =	smul.u32 @!p0 $0xF7A, s2;
	p2 =	seq.s32 @!p0 s5, $0x0  }
0x1f: {  	s9 =	smul.u32 $0xF7A, s1;
	s8 =	simm.s32 @!p0 $0x1BF5;
	p2 =	por !p2, p0  }
0x20: {  	[sflag:s8] =	ssyncset.s32 @!p0 $0xFFFFF086;
	s6 =	sadd.s32 @!p0 s3, s7;
	s7 =	simm.s32 @!p0 $0x108  }
0x21: {  	s3 =	sadd.s32 s3, s9;
	s6 =	sadd.s32 @!p0 $0x88, s6;
	s7 =	simm.s32 @p2 $0x1082  }
0x22: {  	[simem:s7], [sflag:s8] =	dma.local @!p0 [hbm:s6], $0xF7A  }
0x23: {  	s9 =	sor.u32 $0xD0000000, s2;
	s6 =	simm.s32 $0x108;
	_ =	swait.ge @!p0 [sflag:s8], $0x0  }
0x24: {  	s3 =	sadd.s32 $0x88, s3;
	s6 =	simm.s32 @!p1 $0x1082;
	[sflag:s4] =	ssyncset.s32 $0xFFFFF086  }
0x25: {  	[simem:s6], [sflag:s4] =	dma.local [hbm:s3], $0xF7A  }
0x26: {  	[smem:$0x3F83] =	sst s1;
	(tag) =	ssettag s2;
	_ =	strace s9  }
0x27: {  	s1 =	sld [smem:$0x3F93]  }
0x28: {  	s2 =	sld [smem:$0x3F94]  }
0x29: {  	s4 =	sld [smem:$0x3F96]  }
0x2a: {  	p0 =	seq.s32 s5, $0x0;
	s5 =	sld [smem:$0x3F97]  }
0x2b: {  	s6 =	sld [smem:$0x3F98]  }
0x2c: {  	s7 =	sld [smem:$0x3F99]  }
0x2d: {  	s3 =	simm.s32 $0x108;
	s8 =	sld [smem:$0x3F9A]  }
0x2e: {  	s3 =	simm.s32 @!p0 $0x1082;
	s9 =	sld [smem:$0x3F9B]  }
0x2f: {  	lr =	sadd.s32 s0, s3;
	s0 =	sld [smem:$0x3F92]  }
0x30: {  	s3 =	sld [smem:$0x3F95]  }
0x31: {  	[smem:$0x3F9E] =	sst s10  }
0x32: {  	s10 =	sld [smem:$0x3F9C];
	_ =	sdelay $0x3  }
0x33: {  	p0 =	seq.s32 s10, $0x1;
	s10 =	sld [smem:$0x3F9E];
	_ =	sdelay $0x3  }
0x34: {  	[smem:$0x3F9E] =	sst s10  }
0x35: {  	s10 =	sld [smem:$0x3F9D];
	_ =	sdelay $0x3  }
0x36: {  	p1 =	seq.s32 s10, $0x1;
	s10 =	sld [smem:$0x3F9E];
	_ =	sdelay $0x3  }
0x37: {  	[smem:$0x3F9E] =	sst s10  }
0x38: {  	s10 =	sld [smem:$0x3F9F]  }
0x39: {  	_ = 	snop;
	(pc) =	sbr.ind lr, $3  }
0x3a: {  	_ = 	snop  }
0x3b: {  	_ = 	snop  }
0x3c: {  	p2 =	seq.s32 s10, $0x1;
	s10 =	sld [smem:$0x3F9E]  }
0x3d: {  	_ =	shalt  }
0x3e: {  	_ =	shalt  }
0x3f: {  	_ =	shalt  }
0x40: {  	_ =	shalt  }
0x41: {  	_ =	shalt  }
0x42: {  	_ =	shalt  }
0x43: {  	_ =	shalt  }
0x44: {  	_ =	shalt  }
0x45: {  	_ =	shalt  }
0x46: {  	_ =	shalt  }
0x47: {  	_ =	shalt  }
0x48: {  	_ =	shalt  }
0x49: {  	_ =	shalt  }
0x4a: {  	_ =	shalt  }
0x4b: {  	_ =	shalt  }
0x4c: {  	_ =	shalt  }
0x4d: {  	_ =	shalt  }
0x4e: {  	_ =	shalt  }
0x4f: {  	_ =	shalt  }
0x50: {  	_ =	shalt  }
0x51: {  	_ =	shalt  }
0x52: {  	_ =	shalt  }
0x53: {  	_ =	shalt  }
0x54: {  	_ =	shalt  }
0x55: {  	_ =	shalt  }
0x56: {  	_ =	shalt  }
0x57: {  	_ =	shalt  }
0x58: {  	_ =	shalt  }
0x59: {  	_ =	shalt  }
0x5a: {  	_ =	shalt  }
0x5b: {  	_ =	shalt  }
0x5c: {  	_ =	shalt  }
0x5d: {  	_ =	shalt  }
0x5e: {  	_ =	shalt  }
0x5f: {  	_ =	shalt  }
0x60: {  	_ =	shalt  }
0x61: {  	_ =	shalt  }
0x62: {  	_ =	shalt  }
0x63: {  	_ =	shalt  }
0x64: {  	_ =	shalt  }
0x65: {  	_ =	shalt  }
0x66: {  	_ =	shalt  }
0x67: {  	_ =	shalt  }
0x68: {  	_ =	shalt  }
0x69: {  	_ =	shalt  }
0x6a: {  	_ =	shalt  }
0x6b: {  	_ =	shalt  }
0x6c: {  	_ =	shalt  }
0x6d: {  	_ =	shalt  }
0x6e: {  	_ =	shalt  }
0x6f: {  	_ =	shalt  }
0x70: {  	_ =	shalt  }
0x71: {  	_ =	shalt  }
0x72: {  	_ =	shalt  }
0x73: {  	_ =	shalt  }
0x74: {  	_ =	shalt  }
0x75: {  	_ =	shalt  }
0x76: {  	_ =	shalt  }
0x77: {  	_ =	shalt  }
0x78: {  	_ =	shalt  }
0x79: {  	_ =	shalt  }
0x7a: {  	_ =	shalt  }
0x7b: {  	_ =	shalt  }
0x7c: {  	_ =	shalt  }
0x7d: {  	_ =	shalt  }
0x7e: {  	_ =	shalt  }
0x7f: {  	_ =	shalt  }
0x80: {  	_ =	shalt  }
0x81: {  	_ =	shalt  }
0x82: {  	_ =	shalt  }
0x83: {  	_ =	shalt  }
0x84: {  	_ =	shalt  }
0x85: {  	_ =	shalt  }
0x86: {  	_ =	shalt  }
0x87: {  	_ =	shalt  }
.Lfunc_end0:
.L_simem_size_0:
called_computation.1_lowered:
.L_overlay_start_0:
0x88: {  	s2 =	sld [smem:$0x3FD9]  }
0x89: {  	s3 =	sld [smem:$0x3FFE];
	_ =	sdelay $0x1  }
0x8a: {  	s1 =	srdreg.scid  }
0x8b: {  	s0 =	sand.u32 $0x1, s1  }
0x8c: {  	s14 =	sshll.u32 s0, $0xA;
	s2 =	sadd.s32 s3, s2  }
0x8d: {  	s2 =	sadd.s32 s2, s14  }
0x8e: {  	[smem:$0x3FAA] =	sst s2  }
0x8f: {  	_ = 	snop  }
0x90: {  	s2 =	sld [smem:$0x3FD0];
	_ =	sdelay $0x2  }
0x91: {  	s15 =	simm.s32 $0xA;
	s4 =	simm.s32 $0x10  }
0x92: {  	[smem:s4], [sflag:s15] =	dma.local [hbm:s2], $0x1  }
0x93: {  	_ =	swait.eq [sflag:s15], $0x1  }
0x94: {  	[sflag:s15] =	ssyncset.done $0x0  }
0x95: {  	[sflag:s15] =	ssyncadd.s32 $0xFFFFFFFF  }
0x96: {  	s16 =	sld [smem:$0x10];
	(tm) =	ssettm $0x1  }
0x97: {  	s17 =	sld [smem:$0x3FFB];
	_ =	sdelay $0x3  }
0x98: {  	_ =	strace s17  }
0x99: {  	s3 =	sld [smem:$0x3FFC];
	_ =	sdelay $0x3  }
0x9a: {  	_ =	strace s3  }
0x9b: {  	s3 =	sld [smem:$0x3FFD];
	_ =	sdelay $0x3  }
0x9c: {  	_ =	strace s3  }
0x9d: {  	_ =	strace $0x8FFFFFFF  }
0x9e: {  	s18 =	sld [smem:$0x3FDB];
	_ =	sdelay $0x1  }
0x9f: {  	s19 =	simm.s32 $_scs_section_size  }
0xa0: {  	s5 =	simm.s32 $_size__tile_overlayer_lowered;
	s6 =	simm.s32 $_tile_overlayer_lowered  }
0xa1: {  	s22 =	simm.s32 $0x1BFF;
	s21 =	sshll.u32 s6, $0x1;
	s3 =	sadd.s32 s19, s18  }
0xa2: {  	s7 =	simm.s32 $0x0;
	s20 =	sshll.u32 s5, $0x1;
	s5 =	sadd.s32 s21, s3  }
0xa3: {  	[timem:s7], [sflag:s22] =	dma.local [hbm:s5], s20  }
0xa4: {  	_ =	swait.ge [sflag:s22], s20  }
0xa5: {  	s4 =	ssub.s32 $0x0, s20;
	[sflag:s22] =	ssyncset.done $0x0  }
0xa6: {  	[sflag:s22] =	ssyncadd.s32 s4;
	_ =	sdelay $0x1  }
0xa7: {  	s23 =	simm.s32 $0x1B8B  }
0xa8: {  	_ =	swait.ge [sflag:s23], $0x1  }
0xa9: {  	[sflag:s23] =	ssyncset.done $0x0  }
0xaa: {  	s25 =	simm.s32 $0x1B8E;
	s24 =	sld [smem:$0x3FFE];
	[sflag:s23] =	ssyncadd.s32 $0xFFFFFFFF  }
0xab: {  	s26 =	simm.s32 $execute0_lowered;
	[smem:$0x3FD2] =	sst s25  }
0xac: {  	s5 =	sshll.u32 s26, $0x1;
	_ =	strace $0x80000049;
	[dreg:$0x1] =	wrdreg $0xFFFFFFFF  }
0xad: {  	s28 =	simm.s32 $_size_execute0_lowered;
	s3 =	sadd.s32 s3, s5;
	[dreg:$0x0] =	wrdreg $0x0  }
0xae: {  	s5 =	sshll.u32 s28, $0x1;
	[dreg:$0x2] =	wrdreg s3  }
0xaf: {  	[dreg:$0x3] =	wrdreg s5  }
0xb0: {  	[dreg:$0x4] =	wrdreg $0xC0  }
0xb1: {  	_ =	task [dreg:s7], $0x5FFFF  }
0xb2: {  	[dreg:$0x1] =	wrdreg $0xFFFFFFFF  }
0xb3: {  	[dreg:$0x0] =	wrdreg $0x60  }
0xb4: {  	[dreg:$0x2] =	wrdreg s16  }
0xb5: {  	[dreg:$0x3] =	wrdreg s24  }
0xb6: {  	[dreg:$0x4] =	wrdreg $0x95980  }
0xb7: {  	[dreg:$0x5] =	wrdreg $0x5B000  }
0xb8: {  	[dreg:$0x6] =	wrdreg $0x9  }
0xb9: {  	_ =	task.clear_ibuf [dreg:s7], $0x7FFFF;
	_ =	strace $0x90000049  }
0xba: {  	s29 =	simm.s32 $0x9;
	_ =	strace $0x8000004B  }
0xbb: {  	_ =	swait.ge [sflag:s29], $0x1  }
0xbc: {  	[sflag:s29] =	ssyncadd.s32 $0xFFFFFFFF  }
0xbd: {  	_ =	strace $0x9000004B  }
0xbe: {  	_ =	sfence  }
0xbf: {  	s30 =	sld [smem:$0x0];
	_ =	sdelay $0x2  }
0xc0: {  	s31 =	sshll.u32 s1, $0xD;
	s1 =	sshrl.u32 s1, $0x2  }
0xc1: {  	s3 =	sand.u32 $0x4000, s31;
	s1 =	sadd.s32 s1, s30  }
0xc2: {  	s0 =	sor.u32 s3, s0;
	s1 =	sshll.u32 s1, $0x11  }
0xc3: {  	s0 =	sor.u32 s1, s0  }
0xc4: {  	s0 =	sadd.s32 $0x8F2B, s0  }
0xc5: {  	[sflag:s0] =	ssyncadd.remote.s32 $0x1  }
0xc6: {  	_ =	sfence.sel $0xFFFF  }
0xc7: {  	[dreg:$0x0] =	wrdreg $0xFFFFFFFF;
	(pc) =	sbr.abs _section_cstart, $3  }
0xc8: {  	[dreg:$0x1] =	wrdreg $0xFFFFFFFF  }
0xc9: {  	_ =	task.clear_ibuf [dreg:s7], $0x2FFFF;
	_ =	strace $0x9FFFFFFF  }
0xca: {  	(tm) =	ssettm $0x7FFFFFFF  }
0xcb: {  	_ =	shalt  }
tec
execute0_lowered:
.L_overlay_start_1:
0x0: {  	(tag) =	ssettag $0x1  }
0x1: {  	s7 =	rddreg [dreg:$0x0]  }
0x2: {  	s8 =	rddreg [dreg:$0x1]  }
0x3: {  	s2 =	rddreg [dreg:$0x2]  }
0x4: {  	s0 =	srdreg.scid;
	s3 =	rddreg [dreg:$0x3];
	s4 =	simm.s32 $0x0  }
0x5: {  	s16 =	simm.s32 $0x80;
	s6 =	sand.u32 $0x1, s0;
	s0 =	stileid.u32  }
0x6: {  	s17 =	simm.s32 $0x4F00;
	s18 =	simm.s32 $0x0;
	s9 =	smul.u32 $0x3B40, s0  }
0x7: {  	[smem:$0x7FF] =	sst s4;
	s1 =	sshll.u32 s6, $0x4;
	s10 =	smul.u32 $0x3B400, s6  }
0x8: {  	s6 =	ssub.s32 $0x2, s6;
	s12 =	smul.u32 $0x3A98, s0;
	s1 =	sor.u32 s0, s1  }
0x9: {  	s30 =	sshll.u32 s0, $0x6;
	s29 =	sshrl.u32 s6, $0x1;
	s5 =	smul.u32 $0x4F0, s1  }
0xa: {  	s1 =	rddreg [dreg:$0x4];
	_ =	strace $0x8000004A;
	s10 =	sadd.s32 s9, s10  }
0xb: {  	s13 =	ssub.s32 s6, s29;
	s14 =	sadd.s32 s9, s2;
	s6 =	sor.u32 $0x1C01, s30  }
0xc: {  	s15 =	sadd.s32 s12, s3;
	s31 =	sshrl.u32 s12, $0x3;
	s10 =	sshrl.u32 s10, $0x3  }
0xd: {  	s7 =	sadd.s32 s7, s31;
	s12 =	sshrl.u32 s14, $0x3;
	s14 =	sshrl.u32 s15, $0x3  }
0xe: {  	s15 =	simm.s32 $0x2780;
	s11 =	sadd.s32 s5, s8;
	s5 =	sadd.s32 $0x18200, s8  }
0xf: {  	s10 =	sadd.s32 s10, s8;
	s8 =	sadd.s32 $0xE400, s11;
	s9 =	sadd.s32 $0x4600, s11  }
0x10: {  	s10 =	sadd.s32 $0x18A00, s10;
	s11 =	smax.u32 s13, $0x1;
	s13 =	simm.s32 $0x1  }
.LBB2_1:
0x11: {  	[spmem:s12], [sflag:s6] =	dma.local [hbm:s5], $0x768  }
0x12: {  	_ =	swait.ge [sflag:s13], $0x768  }
0x13: {  	[sflag:s13] =	ssyncset.done $0x0  }
0x14: {  	[sflag:s13] =	ssyncadd.s32 $0xFFFFF898  }
0x15: {  	[spmem:s14], [sflag:s6] =	dma.local [hbm:s7], $0x753  }
0x16: {  	_ =	swait.ge [sflag:s13], $0x753  }
0x17: {  	[sflag:s13] =	ssyncset.done $0x0  }
0x18: {  	[sflag:s13] =	ssyncadd.s32 $0xFFFFF8AD  }
0x19: {  	[tilespmem:s4], [sflag:$0x1] =	stream.linear.gather [hbm4b:s8+s4], $0x2780, $0x38;
	[tilespmem:$0xD0D8] =	vst v63  }
0x1a: {  	_ =	swait.ge [sflag:s13], $0x2780  }
0x1b: {  	[sflag:s13] =	ssyncset.done $0x0  }
0x1c: {  	[sflag:s13] =	ssyncadd.s32 $0xFFFFD880  }
0x1d: {  	[tilespmem:s15], [sflag:$0x1] =	stream.linear.gather [hbm4b:s9+s4], $0x2780, $0x38;
	[tilespmem:$0xD0D8] =	vst v63  }
0x1e: {  	_ =	swait.ge [sflag:s13], $0x2780  }
0x1f: {  	[sflag:s13] =	ssyncset.done $0x0  }
0x20: {  	[sflag:s13] =	ssyncadd.s32 $0xFFFFD880  }
0x21: {  	s19 =	simm.s32 $0x0;
	[bflag:$0x0] =	sbarrier.arrive $0xFFFF  }
0x22: {  	[tilespmem:s17], [sflag:$0x1] =	stream.indirect.gather [spmem:s3], $0x18, s19, s16, $0xb8;
	[tilespmem:$0xD0D8] =	vst v63  }
0x23: {  	_ =	swait.ge [sflag:s13], $0xC00  }
0x24: {  	[sflag:s13] =	ssyncset.done $0x0  }
0x25: {  	s31 =	simm.s32 $0x2780;
	[sflag:s13] =	ssyncadd.s32 $0xFFFFF400  }
0x26: {  	[spmem:s2] =	stream.indirect.scatter.add.f32 [tilespmem:s17], [sflag:$0x1], $0x18, s31, s16, $0xb8;
	[tilespmem:$0xD0D8] =	vst v63  }
0x27: {  	_ =	swait.ge [sflag:s13], $0xC00  }
0x28: {  	s20 =	simm.s32 $0x400;
	s19 =	simm.s32 $0x200;
	[sflag:s13] =	ssyncset.done $0x0  }
.LBB2_2:
0x29: {  	s21 =	sshra.s32 s19, $0x2  }
0x2a: {  	[sflag:s13] =	ssyncadd.s32 $0xFFFFF400;
	s19 =	smov.u32 s20;
	s22 =	sadd.s32 $0x200, s20  }
0x2b: {  	[tilespmem:s17], [sflag:$0x1] =	stream.indirect.gather [spmem:s3], $0x18, s21, s16, $0xb8;
	[tilespmem:$0xD0D8] =	vst v63  }
0x2c: {  	p0 =	sne.s32 s20, $0x9C00;
	_ =	swait.ge [sflag:s13], $0xC00  }
.Ltmp0:
0x2d: {  	[sflag:s13] =	ssyncset.done $0x0;
	(pc) =	sbr.rel @p0 .LBB2_2-.Ltmp0, $4  }
0x2e: {  	s20 =	sadd.s32 $0x2780, s21;
	[sflag:s13] =	ssyncadd.s32 $0xFFFFF400  }
0x2f: {  	[spmem:s2] =	stream.indirect.scatter.add.f32 [tilespmem:s17], [sflag:$0x1], $0x18, s20, s16, $0xb8;
	[tilespmem:$0xD0D8] =	vst v63  }
0x30: {  	_ =	swait.ge [sflag:s13], $0xC00  }
0x31: {  	s20 =	smov.u32 s22;
	[sflag:s13] =	ssyncset.done $0x0  }
0x32: {  	s19 =	sshra.s32 s19, $0x2;
	[sflag:s13] =	ssyncadd.s32 $0xFFFFF400  }
0x33: {  	[tilespmem:s17], [sflag:$0x1] =	stream.indirect.gather [spmem:s3], $0x18, s19, s16, $0xb8;
	[tilespmem:$0xD0D8] =	vst v63  }
0x34: {  	_ =	swait.ge [sflag:s13], $0xC00  }
0x35: {  	[sflag:s13] =	ssyncset.done $0x0  }
0x36: {  	s19 =	sadd.s32 $0x2780, s19;
	[sflag:s13] =	ssyncadd.s32 $0xFFFFF400  }
0x37: {  	[spmem:s2] =	stream.indirect.scatter.add.f32 [tilespmem:s17], [sflag:$0x1], $0x18, s19, s16, $0xb8;
	[tilespmem:$0xD0D8] =	vst v63  }
0x38: {  	_ =	swait.ge [sflag:s13], $0xC00  }
0x39: {  	s18 =	sadd.s32 $0x1, s18;
	[sflag:s13] =	ssyncset.done $0x0  }
0x3a: {  	p0 =	sne.s32 s18, s11;
	[sflag:s13] =	ssyncadd.s32 $0xFFFFF400  }
.Ltmp1:
0x3b: {  	[bflag:$0x0] =	sbarrier.arrive $0xFFFF;
	(pc) =	sbr.rel @p0 .LBB2_1-.Ltmp1, $4  }
0x3c: {  	[hbm:s10], [sflag:s6] =	dma.local [spmem:s12], $0x768  }
0x3d: {  	_ =	swait.ge [sflag:s13], $0x768  }
0x3e: {  	[sflag:s13] =	ssyncset.done $0x0  }
0x3f: {  	[sflag:s13] =	ssyncadd.s32 $0xFFFFF898  }
0x40: {  	_ =	sfence.sel $0x180000  }
0x41: {  	[bflag:$0x0] =	sbarrier.arrive $0xFFFF  }
0x42: {  	p0 =	sne.s32 s0, $0x0;
	_ =	strace $0x9000004A  }
0x43: {  	s0 =	sadd.s32 @!p0 $0x100000, s1;
	[bflag:$0x2] =	sbarrier.arrive $0xFFFF  }
0x44: {  	[sflag:s0] =	ssyncadd.tile.s32 @!p0 $0x1;
	_ =	shalt  }
.Lfunc_end2:
_tile_overlayer_lowered:
.L_overlay_start_2:
0x45: {  	(tag) =	ssettag $0x2  }
0x46: {  	s0 =	rddreg [dreg:$0x0];
	s2 =	stileid.u32  }
0x47: {  	s1 =	rddreg [dreg:$0x1];
	p0 =	sne.s32 s2, $0x0  }
0x48: {  	s3 =	rddreg [dreg:$0x2];
	[bflag:$0x3] =	sbarrier.arrive $0xFFFF;
	s2 =	simm.s32 @!p0 $0x1C01  }
0x49: {  	[timem:s3], [sflag:s2] =	dma.local @!p0 [hbm:s0], s1  }
0x4a: {  	s0 =	simm.s32 @!p0 $0x1  }
0x4b: {  	_ =	swait.ge @!p0 [sflag:s0], s1  }
0x4c: {  	s1 =	ssub.s32 @!p0 $0x0, s1;
	[sflag:s0] =	ssyncset.done @!p0 $0x0  }
0x4d: {  	[sflag:s0] =	ssyncadd.s32 @!p0 s1  }
0x4e: {  	[bflag:$0x3] =	sbarrier.arrive $0xFFFF  }
0x4f: {  	_ =	shalt  }

// kernel: kernel.14.cloned.1.call-start
scs
__scs_entry_jumppad:
0x0: {  	(pc) =	sbr.rel $0x88, $3  }
0x1: {  	(tag) =	ssettag $0x0;
	lr =	simm.s32 $0x1  }
0x2: {  	[smem:$0x3F83] =	sst lr;
	_ =	strace $0xD0000000  }
0x3: {  	_ = 	snop  }
0x4: {  	_ = 	snop  }
0x5: {  	_ = 	snop  }
0x6: {  	_ = 	snop  }
0x7: {  	_ = 	snop  }
__scs_overlays_trampoline_lowered:
0x8: {  	[smem:$0x3F92] =	sst s0  }
0x9: {  	[smem:$0x3F93] =	sst s1  }
0xa: {  	[smem:$0x3F94] =	sst s2  }
0xb: {  	[smem:$0x3F95] =	sst s3  }
0xc: {  	[smem:$0x3F96] =	sst s4  }
0xd: {  	[smem:$0x3F97] =	sst s5  }
0xe: {  	[smem:$0x3F98] =	sst s6  }
0xf: {  	[smem:$0x3F99] =	sst s7  }
0x10: {  	[smem:$0x3F9A] =	sst s8  }
0x11: {  	[smem:$0x3F9B] =	sst s9;
	s0 =	simm.s32 @!p0 $0x0  }
0x12: {  	s1 =	sld [smem:$0x3F81];
	s0 =	simm.s32 @p0 $0x1  }
0x13: {  	[smem:$0x3F9C] =	sst s0;
	s0 =	simm.s32 @!p1 $0x0  }
0x14: {  	s2 =	sld [smem:$0x3F80];
	s0 =	simm.s32 @p1 $0x1  }
0x15: {  	[smem:$0x3F9D] =	sst s0;
	s0 =	simm.s32 @!p2 $0x0  }
0x16: {  	s3 =	sld [smem:$0x3FDB];
	s0 =	simm.s32 @p2 $0x1  }
0x17: {  	s4 =	simm.s32 $0x1BF5;
	[smem:$0x3F9F] =	sst s0  }
0x18: {  	s0 =	sld [smem:$0x3F82];
	_ =	swait.ge [sflag:s4], $0x0  }
0x19: {  	s7 =	sld [smem:$0x3F83]  }
0x1a: {  	s8 =	sadd.s32 $0xFFFFE003, lr  }
0x1b: {  	s9 =	sadd.s32 $0xFFFFFEF7, lr;
	s5 =	simm.s32 $0xFFFFFFFF;
	p2 =	slt.u32 s8, $0xFFFFF086  }
0x1c: {  	p1 =	slt.u32 s9, $0xF7A;
	s5 =	simm.s32 @!p2 $0x0  }
0x1d: {  	s5 =	simm.s32 @p1 $0x1;
	p0 =	seq.s32 s7, s2  }
0x1e: {  	s7 =	smul.u32 @!p0 $0xF7A, s2;
	p2 =	seq.s32 @!p0 s5, $0x0  }
0x1f: {  	s9 =	smul.u32 $0xF7A, s1;
	s8 =	simm.s32 @!p0 $0x1BF5;
	p2 =	por !p2, p0  }
0x20: {  	[sflag:s8] =	ssyncset.s32 @!p0 $0xFFFFF086;
	s6 =	sadd.s32 @!p0 s3, s7;
	s7 =	simm.s32 @!p0 $0x108  }
0x21: {  	s3 =	sadd.s32 s3, s9;
	s6 =	sadd.s32 @!p0 $0x88, s6;
	s7 =	simm.s32 @p2 $0x1082  }
0x22: {  	[simem:s7], [sflag:s8] =	dma.local @!p0 [hbm:s6], $0xF7A  }
0x23: {  	s9 =	sor.u32 $0xD0000000, s2;
	s6 =	simm.s32 $0x108;
	_ =	swait.ge @!p0 [sflag:s8], $0x0  }
0x24: {  	s3 =	sadd.s32 $0x88, s3;
	s6 =	simm.s32 @!p1 $0x1082;
	[sflag:s4] =	ssyncset.s32 $0xFFFFF086  }
0x25: {  	[simem:s6], [sflag:s4] =	dma.local [hbm:s3], $0xF7A  }
0x26: {  	[smem:$0x3F83] =	sst s1;
	(tag) =	ssettag s2;
	_ =	strace s9  }
0x27: {  	s1 =	sld [smem:$0x3F93]  }
0x28: {  	s2 =	sld [smem:$0x3F94]  }
0x29: {  	s4 =	sld [smem:$0x3F96]  }
0x2a: {  	p0 =	seq.s32 s5, $0x0;
	s5 =	sld [smem:$0x3F97]  }
0x2b: {  	s6 =	sld [smem:$0x3F98]  }
0x2c: {  	s7 =	sld [smem:$0x3F99]  }
0x2d: {  	s3 =	simm.s32 $0x108;
	s8 =	sld [smem:$0x3F9A]  }
0x2e: {  	s3 =	simm.s32 @!p0 $0x1082;
	s9 =	sld [smem:$0x3F9B]  }
0x2f: {  	lr =	sadd.s32 s0, s3;
	s0 =	sld [smem:$0x3F92]  }
0x30: {  	s3 =	sld [smem:$0x3F95]  }
0x31: {  	[smem:$0x3F9E] =	sst s10  }
0x32: {  	s10 =	sld [smem:$0x3F9C];
	_ =	sdelay $0x3  }
0x33: {  	p0 =	seq.s32 s10, $0x1;
	s10 =	sld [smem:$0x3F9E];
	_ =	sdelay $0x3  }
0x34: {  	[smem:$0x3F9E] =	sst s10  }
0x35: {  	s10 =	sld [smem:$0x3F9D];
	_ =	sdelay $0x3  }
0x36: {  	p1 =	seq.s32 s10, $0x1;
	s10 =	sld [smem:$0x3F9E];
	_ =	sdelay $0x3  }
0x37: {  	[smem:$0x3F9E] =	sst s10  }
0x38: {  	s10 =	sld [smem:$0x3F9F]  }
0x39: {  	_ = 	snop;
	(pc) =	sbr.ind lr, $3  }
0x3a: {  	_ = 	snop  }
0x3b: {  	_ = 	snop  }
0x3c: {  	p2 =	seq.s32 s10, $0x1;
	s10 =	sld [smem:$0x3F9E]  }
0x3d: {  	_ =	shalt  }
0x3e: {  	_ =	shalt  }
0x3f: {  	_ =	shalt  }
0x40: {  	_ =	shalt  }
0x41: {  	_ =	shalt  }
0x42: {  	_ =	shalt  }
0x43: {  	_ =	shalt  }
0x44: {  	_ =	shalt  }
0x45: {  	_ =	shalt  }
0x46: {  	_ =	shalt  }
0x47: {  	_ =	shalt  }
0x48: {  	_ =	shalt  }
0x49: {  	_ =	shalt  }
0x4a: {  	_ =	shalt  }
0x4b: {  	_ =	shalt  }
0x4c: {  	_ =	shalt  }
0x4d: {  	_ =	shalt  }
0x4e: {  	_ =	shalt  }
0x4f: {  	_ =	shalt  }
0x50: {  	_ =	shalt  }
0x51: {  	_ =	shalt  }
0x52: {  	_ =	shalt  }
0x53: {  	_ =	shalt  }
0x54: {  	_ =	shalt  }
0x55: {  	_ =	shalt  }
0x56: {  	_ =	shalt  }
0x57: {  	_ =	shalt  }
0x58: {  	_ =	shalt  }
0x59: {  	_ =	shalt  }
0x5a: {  	_ =	shalt  }
0x5b: {  	_ =	shalt  }
0x5c: {  	_ =	shalt  }
0x5d: {  	_ =	shalt  }
0x5e: {  	_ =	shalt  }
0x5f: {  	_ =	shalt  }
0x60: {  	_ =	shalt  }
0x61: {  	_ =	shalt  }
0x62: {  	_ =	shalt  }
0x63: {  	_ =	shalt  }
0x64: {  	_ =	shalt  }
0x65: {  	_ =	shalt  }
0x66: {  	_ =	shalt  }
0x67: {  	_ =	shalt  }
0x68: {  	_ =	shalt  }
0x69: {  	_ =	shalt  }
0x6a: {  	_ =	shalt  }
0x6b: {  	_ =	shalt  }
0x6c: {  	_ =	shalt  }
0x6d: {  	_ =	shalt  }
0x6e: {  	_ =	shalt  }
0x6f: {  	_ =	shalt  }
0x70: {  	_ =	shalt  }
0x71: {  	_ =	shalt  }
0x72: {  	_ =	shalt  }
0x73: {  	_ =	shalt  }
0x74: {  	_ =	shalt  }
0x75: {  	_ =	shalt  }
0x76: {  	_ =	shalt  }
0x77: {  	_ =	shalt  }
0x78: {  	_ =	shalt  }
0x79: {  	_ =	shalt  }
0x7a: {  	_ =	shalt  }
0x7b: {  	_ =	shalt  }
0x7c: {  	_ =	shalt  }
0x7d: {  	_ =	shalt  }
0x7e: {  	_ =	shalt  }
0x7f: {  	_ =	shalt  }
0x80: {  	_ =	shalt  }
0x81: {  	_ =	shalt  }
0x82: {  	_ =	shalt  }
0x83: {  	_ =	shalt  }
0x84: {  	_ =	shalt  }
0x85: {  	_ =	shalt  }
0x86: {  	_ =	shalt  }
0x87: {  	_ =	shalt  }
.Lfunc_end0:
.L_simem_size_0:
called_computation.2_lowered:
.L_overlay_start_0:
0x88: {  	s2 =	sld [smem:$0x3FD9]  }
0x89: {  	s3 =	sld [smem:$0x3FFE];
	_ =	sdelay $0x1  }
0x8a: {  	s1 =	srdreg.scid  }
0x8b: {  	s0 =	sand.u32 $0x1, s1  }
0x8c: {  	s14 =	sshll.u32 s0, $0xA;
	s2 =	sadd.s32 s3, s2  }
0x8d: {  	s2 =	sadd.s32 s2, s14  }
0x8e: {  	[smem:$0x3FAA] =	sst s2  }
0x8f: {  	_ = 	snop  }
0x90: {  	s2 =	sld [smem:$0x3FD0];
	_ =	sdelay $0x2  }
0x91: {  	s15 =	simm.s32 $0xA;
	s4 =	simm.s32 $0x10  }
0x92: {  	[smem:s4], [sflag:s15] =	dma.local [hbm:s2], $0x1  }
0x93: {  	_ =	swait.eq [sflag:s15], $0x1  }
0x94: {  	[sflag:s15] =	ssyncset.done $0x0  }
0x95: {  	[sflag:s15] =	ssyncadd.s32 $0xFFFFFFFF  }
0x96: {  	s16 =	sld [smem:$0x10];
	(tm) =	ssettm $0x1  }
0x97: {  	s17 =	sld [smem:$0x3FFB];
	_ =	sdelay $0x3  }
0x98: {  	_ =	strace s17  }
0x99: {  	s3 =	sld [smem:$0x3FFC];
	_ =	sdelay $0x3  }
0x9a: {  	_ =	strace s3  }
0x9b: {  	s3 =	sld [smem:$0x3FFD];
	_ =	sdelay $0x3  }
0x9c: {  	_ =	strace s3  }
0x9d: {  	_ =	strace $0x8FFFFFFF  }
0x9e: {  	s18 =	sld [smem:$0x3FDB];
	_ =	sdelay $0x1  }
0x9f: {  	s19 =	simm.s32 $_scs_section_size  }
0xa0: {  	s5 =	simm.s32 $_size__tile_overlayer_lowered;
	s6 =	simm.s32 $_tile_overlayer_lowered  }
0xa1: {  	s22 =	simm.s32 $0x1BFF;
	s21 =	sshll.u32 s6, $0x1;
	s3 =	sadd.s32 s19, s18  }
0xa2: {  	s7 =	simm.s32 $0x0;
	s20 =	sshll.u32 s5, $0x1;
	s5 =	sadd.s32 s21, s3  }
0xa3: {  	[timem:s7], [sflag:s22] =	dma.local [hbm:s5], s20  }
0xa4: {  	_ =	swait.ge [sflag:s22], s20  }
0xa5: {  	s4 =	ssub.s32 $0x0, s20;
	[sflag:s22] =	ssyncset.done $0x0  }
0xa6: {  	[sflag:s22] =	ssyncadd.s32 s4;
	_ =	sdelay $0x1  }
0xa7: {  	s23 =	simm.s32 $0x1B8B  }
0xa8: {  	_ =	swait.ge [sflag:s23], $0x1  }
0xa9: {  	[sflag:s23] =	ssyncset.done $0x0  }
0xaa: {  	s25 =	simm.s32 $0x1B8E;
	s24 =	sld [smem:$0x3FFE];
	[sflag:s23] =	ssyncadd.s32 $0xFFFFFFFF  }
0xab: {  	s26 =	simm.s32 $execute0_lowered;
	[smem:$0x3FD2] =	sst s25  }
0xac: {  	s5 =	sshll.u32 s26, $0x1;
	_ =	strace $0x8000004C;
	[dreg:$0x1] =	wrdreg $0xFFFFFFFF  }
0xad: {  	s28 =	simm.s32 $_size_execute0_lowered;
	s3 =	sadd.s32 s3, s5;
	[dreg:$0x0] =	wrdreg $0x0  }
0xae: {  	s5 =	sshll.u32 s28, $0x1;
	[dreg:$0x2] =	wrdreg s3  }
0xaf: {  	[dreg:$0x3] =	wrdreg s5  }
0xb0: {  	[dreg:$0x4] =	wrdreg $0xC0  }
0xb1: {  	_ =	task [dreg:s7], $0x5FFFF  }
0xb2: {  	[dreg:$0x1] =	wrdreg $0xFFFFFFFF  }
0xb3: {  	[dreg:$0x0] =	wrdreg $0x60  }
0xb4: {  	[dreg:$0x2] =	wrdreg s16  }
0xb5: {  	[dreg:$0x3] =	wrdreg s24  }
0xb6: {  	[dreg:$0x4] =	wrdreg $0x95980  }
0xb7: {  	[dreg:$0x5] =	wrdreg $0x5B000  }
0xb8: {  	[dreg:$0x6] =	wrdreg $0x9  }
0xb9: {  	_ =	task.clear_ibuf [dreg:s7], $0x7FFFF;
	_ =	strace $0x9000004C  }
0xba: {  	s29 =	simm.s32 $0x9;
	_ =	strace $0x8000004E  }
0xbb: {  	_ =	swait.ge [sflag:s29], $0x1  }
0xbc: {  	[sflag:s29] =	ssyncadd.s32 $0xFFFFFFFF  }
0xbd: {  	_ =	strace $0x9000004E  }
0xbe: {  	_ =	sfence  }
0xbf: {  	s30 =	sld [smem:$0x0];
	_ =	sdelay $0x2  }
0xc0: {  	s31 =	sshll.u32 s1, $0xD;
	s1 =	sshrl.u32 s1, $0x2  }
0xc1: {  	s3 =	sand.u32 $0x4000, s31;
	s1 =	sadd.s32 s1, s30  }
0xc2: {  	s0 =	sor.u32 s3, s0;
	s1 =	sshll.u32 s1, $0x11  }
0xc3: {  	s0 =	sor.u32 s1, s0  }
0xc4: {  	s0 =	sadd.s32 $0x8F2B, s0  }
0xc5: {  	[sflag:s0] =	ssyncadd.remote.s32 $0x1  }
0xc6: {  	_ =	sfence.sel $0xFFFF  }
0xc7: {  	[dreg:$0x0] =	wrdreg $0xFFFFFFFF;
	(pc) =	sbr.abs _section_cstart, $3  }
0xc8: {  	[dreg:$0x1] =	wrdreg $0xFFFFFFFF  }
0xc9: {  	_ =	task.clear_ibuf [dreg:s7], $0x2FFFF;
	_ =	strace $0x9FFFFFFF  }
0xca: {  	(tm) =	ssettm $0x7FFFFFFF  }
0xcb: {  	_ =	shalt  }
tec
execute0_lowered:
.L_overlay_start_1:
0x0: {  	(tag) =	ssettag $0x1  }
0x1: {  	s7 =	rddreg [dreg:$0x0]  }
0x2: {  	s8 =	rddreg [dreg:$0x1]  }
0x3: {  	s2 =	rddreg [dreg:$0x2]  }
0x4: {  	s0 =	srdreg.scid;
	s3 =	rddreg [dreg:$0x3];
	s4 =	simm.s32 $0x0  }
0x5: {  	s16 =	simm.s32 $0x80;
	s6 =	sand.u32 $0x1, s0;
	s0 =	stileid.u32  }
0x6: {  	s17 =	simm.s32 $0x4F00;
	s18 =	simm.s32 $0x0;
	s9 =	smul.u32 $0x3B40, s0  }
0x7: {  	[smem:$0x7FF] =	sst s4;
	s1 =	sshll.u32 s6, $0x4;
	s10 =	smul.u32 $0x3B400, s6  }
0x8: {  	s6 =	ssub.s32 $0x2, s6;
	s12 =	smul.u32 $0x3A98, s0;
	s1 =	sor.u32 s0, s1  }
0x9: {  	s30 =	sshll.u32 s0, $0x6;
	s29 =	sshrl.u32 s6, $0x1;
	s5 =	smul.u32 $0x4F0, s1  }
0xa: {  	s1 =	rddreg [dreg:$0x4];
	_ =	strace $0x8000004D;
	s10 =	sadd.s32 s9, s10  }
0xb: {  	s13 =	ssub.s32 s6, s29;
	s14 =	sadd.s32 s9, s2;
	s6 =	sor.u32 $0x1C01, s30  }
0xc: {  	s15 =	sadd.s32 s12, s3;
	s31 =	sshrl.u32 s12, $0x3;
	s10 =	sshrl.u32 s10, $0x3  }
0xd: {  	s7 =	sadd.s32 s7, s31;
	s12 =	sshrl.u32 s14, $0x3;
	s14 =	sshrl.u32 s15, $0x3  }
0xe: {  	s15 =	simm.s32 $0x2780;
	s11 =	sadd.s32 s5, s8;
	s5 =	sadd.s32 $0x18200, s8  }
0xf: {  	s10 =	sadd.s32 s10, s8;
	s8 =	sadd.s32 $0xE400, s11;
	s9 =	sadd.s32 $0x4600, s11  }
0x10: {  	s10 =	sadd.s32 $0x18A00, s10;
	s11 =	smax.u32 s13, $0x1;
	s13 =	simm.s32 $0x1  }
.LBB2_1:
0x11: {  	[spmem:s12], [sflag:s6] =	dma.local [hbm:s5], $0x768  }
0x12: {  	_ =	swait.ge [sflag:s13], $0x768  }
0x13: {  	[sflag:s13] =	ssyncset.done $0x0  }
0x14: {  	[sflag:s13] =	ssyncadd.s32 $0xFFFFF898  }
0x15: {  	[spmem:s14], [sflag:s6] =	dma.local [hbm:s7], $0x753  }
0x16: {  	_ =	swait.ge [sflag:s13], $0x753  }
0x17: {  	[sflag:s13] =	ssyncset.done $0x0  }
0x18: {  	[sflag:s13] =	ssyncadd.s32 $0xFFFFF8AD  }
0x19: {  	[tilespmem:s4], [sflag:$0x1] =	stream.linear.gather [hbm4b:s8+s4], $0x2780, $0x38;
	[tilespmem:$0xD0D8] =	vst v63  }
0x1a: {  	_ =	swait.ge [sflag:s13], $0x2780  }
0x1b: {  	[sflag:s13] =	ssyncset.done $0x0  }
0x1c: {  	[sflag:s13] =	ssyncadd.s32 $0xFFFFD880  }
0x1d: {  	[tilespmem:s15], [sflag:$0x1] =	stream.linear.gather [hbm4b:s9+s4], $0x2780, $0x38;
	[tilespmem:$0xD0D8] =	vst v63  }
0x1e: {  	_ =	swait.ge [sflag:s13], $0x2780  }
0x1f: {  	[sflag:s13] =	ssyncset.done $0x0  }
0x20: {  	[sflag:s13] =	ssyncadd.s32 $0xFFFFD880  }
0x21: {  	s19 =	simm.s32 $0x0;
	[bflag:$0x0] =	sbarrier.arrive $0xFFFF  }
0x22: {  	[tilespmem:s17], [sflag:$0x1] =	stream.indirect.gather [spmem:s3], $0x18, s19, s16, $0xb8;
	[tilespmem:$0xD0D8] =	vst v63  }
0x23: {  	_ =	swait.ge [sflag:s13], $0xC00  }
0x24: {  	[sflag:s13] =	ssyncset.done $0x0  }
0x25: {  	s31 =	simm.s32 $0x2780;
	[sflag:s13] =	ssyncadd.s32 $0xFFFFF400  }
0x26: {  	[spmem:s2] =	stream.indirect.scatter.add.f32 [tilespmem:s17], [sflag:$0x1], $0x18, s31, s16, $0xb8;
	[tilespmem:$0xD0D8] =	vst v63  }
0x27: {  	_ =	swait.ge [sflag:s13], $0xC00  }
0x28: {  	s20 =	simm.s32 $0x400;
	s19 =	simm.s32 $0x200;
	[sflag:s13] =	ssyncset.done $0x0  }
.LBB2_2:
0x29: {  	s21 =	sshra.s32 s19, $0x2  }
0x2a: {  	[sflag:s13] =	ssyncadd.s32 $0xFFFFF400;
	s19 =	smov.u32 s20;
	s22 =	sadd.s32 $0x200, s20  }
0x2b: {  	[tilespmem:s17], [sflag:$0x1] =	stream.indirect.gather [spmem:s3], $0x18, s21, s16, $0xb8;
	[tilespmem:$0xD0D8] =	vst v63  }
0x2c: {  	p0 =	sne.s32 s20, $0x9C00;
	_ =	swait.ge [sflag:s13], $0xC00  }
.Ltmp0:
0x2d: {  	[sflag:s13] =	ssyncset.done $0x0;
	(pc) =	sbr.rel @p0 .LBB2_2-.Ltmp0, $4  }
0x2e: {  	s20 =	sadd.s32 $0x2780, s21;
	[sflag:s13] =	ssyncadd.s32 $0xFFFFF400  }
0x2f: {  	[spmem:s2] =	stream.indirect.scatter.add.f32 [tilespmem:s17], [sflag:$0x1], $0x18, s20, s16, $0xb8;
	[tilespmem:$0xD0D8] =	vst v63  }
0x30: {  	_ =	swait.ge [sflag:s13], $0xC00  }
0x31: {  	s20 =	smov.u32 s22;
	[sflag:s13] =	ssyncset.done $0x0  }
0x32: {  	s19 =	sshra.s32 s19, $0x2;
	[sflag:s13] =	ssyncadd.s32 $0xFFFFF400  }
0x33: {  	[tilespmem:s17], [sflag:$0x1] =	stream.indirect.gather [spmem:s3], $0x18, s19, s16, $0xb8;
	[tilespmem:$0xD0D8] =	vst v63  }
0x34: {  	_ =	swait.ge [sflag:s13], $0xC00  }
0x35: {  	[sflag:s13] =	ssyncset.done $0x0  }
0x36: {  	s19 =	sadd.s32 $0x2780, s19;
	[sflag:s13] =	ssyncadd.s32 $0xFFFFF400  }
0x37: {  	[spmem:s2] =	stream.indirect.scatter.add.f32 [tilespmem:s17], [sflag:$0x1], $0x18, s19, s16, $0xb8;
	[tilespmem:$0xD0D8] =	vst v63  }
0x38: {  	_ =	swait.ge [sflag:s13], $0xC00  }
0x39: {  	s18 =	sadd.s32 $0x1, s18;
	[sflag:s13] =	ssyncset.done $0x0  }
0x3a: {  	p0 =	sne.s32 s18, s11;
	[sflag:s13] =	ssyncadd.s32 $0xFFFFF400  }
.Ltmp1:
0x3b: {  	[bflag:$0x0] =	sbarrier.arrive $0xFFFF;
	(pc) =	sbr.rel @p0 .LBB2_1-.Ltmp1, $4  }
0x3c: {  	[hbm:s10], [sflag:s6] =	dma.local [spmem:s12], $0x768  }
0x3d: {  	_ =	swait.ge [sflag:s13], $0x768  }
0x3e: {  	[sflag:s13] =	ssyncset.done $0x0  }
0x3f: {  	[sflag:s13] =	ssyncadd.s32 $0xFFFFF898  }
0x40: {  	_ =	sfence.sel $0x180000  }
0x41: {  	[bflag:$0x0] =	sbarrier.arrive $0xFFFF  }
0x42: {  	p0 =	sne.s32 s0, $0x0;
	_ =	strace $0x9000004D  }
0x43: {  	s0 =	sadd.s32 @!p0 $0x100000, s1;
	[bflag:$0x2] =	sbarrier.arrive $0xFFFF  }
0x44: {  	[sflag:s0] =	ssyncadd.tile.s32 @!p0 $0x1;
	_ =	shalt  }
.Lfunc_end2:
_tile_overlayer_lowered:
.L_overlay_start_2:
0x45: {  	(tag) =	ssettag $0x2  }
0x46: {  	s0 =	rddreg [dreg:$0x0];
	s2 =	stileid.u32  }
0x47: {  	s1 =	rddreg [dreg:$0x1];
	p0 =	sne.s32 s2, $0x0  }
0x48: {  	s3 =	rddreg [dreg:$0x2];
	[bflag:$0x3] =	sbarrier.arrive $0xFFFF;
	s2 =	simm.s32 @!p0 $0x1C01  }
0x49: {  	[timem:s3], [sflag:s2] =	dma.local @!p0 [hbm:s0], s1  }
0x4a: {  	s0 =	simm.s32 @!p0 $0x1  }
0x4b: {  	_ =	swait.ge @!p0 [sflag:s0], s1  }
0x4c: {  	s1 =	ssub.s32 @!p0 $0x0, s1;
	[sflag:s0] =	ssyncset.done @!p0 $0x0  }
0x4d: {  	[sflag:s0] =	ssyncadd.s32 @!p0 s1  }
0x4e: {  	[bflag:$0x3] =	sbarrier.arrive $0xFFFF  }
0x4f: {  	_ =	shalt  }

// kernel: kernel.8.cloned.1.call-start
scs
__scs_entry_jumppad:
0x0: {  	(pc) =	sbr.rel $0x88, $3  }
0x1: {  	(tag) =	ssettag $0x0;
	lr =	simm.s32 $0x1  }
0x2: {  	[smem:$0x3F83] =	sst lr;
	_ =	strace $0xD0000000  }
0x3: {  	_ = 	snop  }
0x4: {  	_ = 	snop  }
0x5: {  	_ = 	snop  }
0x6: {  	_ = 	snop  }
0x7: {  	_ = 	snop  }
__scs_overlays_trampoline_lowered:
0x8: {  	[smem:$0x3F92] =	sst s0  }
0x9: {  	[smem:$0x3F93] =	sst s1  }
0xa: {  	[smem:$0x3F94] =	sst s2  }
0xb: {  	[smem:$0x3F95] =	sst s3  }
0xc: {  	[smem:$0x3F96] =	sst s4  }
0xd: {  	[smem:$0x3F97] =	sst s5  }
0xe: {  	[smem:$0x3F98] =	sst s6  }
0xf: {  	[smem:$0x3F99] =	sst s7  }
0x10: {  	[smem:$0x3F9A] =	sst s8  }
0x11: {  	[smem:$0x3F9B] =	sst s9;
	s0 =	simm.s32 @!p0 $0x0  }
0x12: {  	s1 =	sld [smem:$0x3F81];
	s0 =	simm.s32 @p0 $0x1  }
0x13: {  	[smem:$0x3F9C] =	sst s0;
	s0 =	simm.s32 @!p1 $0x0  }
0x14: {  	s2 =	sld [smem:$0x3F80];
	s0 =	simm.s32 @p1 $0x1  }
0x15: {  	[smem:$0x3F9D] =	sst s0;
	s0 =	simm.s32 @!p2 $0x0  }
0x16: {  	s3 =	sld [smem:$0x3FDB];
	s0 =	simm.s32 @p2 $0x1  }
0x17: {  	s4 =	simm.s32 $0x1BF5;
	[smem:$0x3F9F] =	sst s0  }
0x18: {  	s0 =	sld [smem:$0x3F82];
	_ =	swait.ge [sflag:s4], $0x0  }
0x19: {  	s7 =	sld [smem:$0x3F83]  }
0x1a: {  	s8 =	sadd.s32 $0xFFFFE003, lr  }
0x1b: {  	s9 =	sadd.s32 $0xFFFFFEF7, lr;
	s5 =	simm.s32 $0xFFFFFFFF;
	p2 =	slt.u32 s8, $0xFFFFF086  }
0x1c: {  	p1 =	slt.u32 s9, $0xF7A;
	s5 =	simm.s32 @!p2 $0x0  }
0x1d: {  	s5 =	simm.s32 @p1 $0x1;
	p0 =	seq.s32 s7, s2  }
0x1e: {  	s7 =	smul.u32 @!p0 $0xF7A, s2;
	p2 =	seq.s32 @!p0 s5, $0x0  }
0x1f: {  	s9 =	smul.u32 $0xF7A, s1;
	s8 =	simm.s32 @!p0 $0x1BF5;
	p2 =	por !p2, p0  }
0x20: {  	[sflag:s8] =	ssyncset.s32 @!p0 $0xFFFFF086;
	s6 =	sadd.s32 @!p0 s3, s7;
	s7 =	simm.s32 @!p0 $0x108  }
0x21: {  	s3 =	sadd.s32 s3, s9;
	s6 =	sadd.s32 @!p0 $0x88, s6;
	s7 =	simm.s32 @p2 $0x1082  }
0x22: {  	[simem:s7], [sflag:s8] =	dma.local @!p0 [hbm:s6], $0xF7A  }
0x23: {  	s9 =	sor.u32 $0xD0000000, s2;
	s6 =	simm.s32 $0x108;
	_ =	swait.ge @!p0 [sflag:s8], $0x0  }
0x24: {  	s3 =	sadd.s32 $0x88, s3;
	s6 =	simm.s32 @!p1 $0x1082;
	[sflag:s4] =	ssyncset.s32 $0xFFFFF086  }
0x25: {  	[simem:s6], [sflag:s4] =	dma.local [hbm:s3], $0xF7A  }
0x26: {  	[smem:$0x3F83] =	sst s1;
	(tag) =	ssettag s2;
	_ =	strace s9  }
0x27: {  	s1 =	sld [smem:$0x3F93]  }
0x28: {  	s2 =	sld [smem:$0x3F94]  }
0x29: {  	s4 =	sld [smem:$0x3F96]  }
0x2a: {  	p0 =	seq.s32 s5, $0x0;
	s5 =	sld [smem:$0x3F97]  }
0x2b: {  	s6 =	sld [smem:$0x3F98]  }
0x2c: {  	s7 =	sld [smem:$0x3F99]  }
0x2d: {  	s3 =	simm.s32 $0x108;
	s8 =	sld [smem:$0x3F9A]  }
0x2e: {  	s3 =	simm.s32 @!p0 $0x1082;
	s9 =	sld [smem:$0x3F9B]  }
0x2f: {  	lr =	sadd.s32 s0, s3;
	s0 =	sld [smem:$0x3F92]  }
0x30: {  	s3 =	sld [smem:$0x3F95]  }
0x31: {  	[smem:$0x3F9E] =	sst s10  }
0x32: {  	s10 =	sld [smem:$0x3F9C];
	_ =	sdelay $0x3  }
0x33: {  	p0 =	seq.s32 s10, $0x1;
	s10 =	sld [smem:$0x3F9E];
	_ =	sdelay $0x3  }
0x34: {  	[smem:$0x3F9E] =	sst s10  }
0x35: {  	s10 =	sld [smem:$0x3F9D];
	_ =	sdelay $0x3  }
0x36: {  	p1 =	seq.s32 s10, $0x1;
	s10 =	sld [smem:$0x3F9E];
	_ =	sdelay $0x3  }
0x37: {  	[smem:$0x3F9E] =	sst s10  }
0x38: {  	s10 =	sld [smem:$0x3F9F]  }
0x39: {  	_ = 	snop;
	(pc) =	sbr.ind lr, $3  }
0x3a: {  	_ = 	snop  }
0x3b: {  	_ = 	snop  }
0x3c: {  	p2 =	seq.s32 s10, $0x1;
	s10 =	sld [smem:$0x3F9E]  }
0x3d: {  	_ =	shalt  }
0x3e: {  	_ =	shalt  }
0x3f: {  	_ =	shalt  }
0x40: {  	_ =	shalt  }
0x41: {  	_ =	shalt  }
0x42: {  	_ =	shalt  }
0x43: {  	_ =	shalt  }
0x44: {  	_ =	shalt  }
0x45: {  	_ =	shalt  }
0x46: {  	_ =	shalt  }
0x47: {  	_ =	shalt  }
0x48: {  	_ =	shalt  }
0x49: {  	_ =	shalt  }
0x4a: {  	_ =	shalt  }
0x4b: {  	_ =	shalt  }
0x4c: {  	_ =	shalt  }
0x4d: {  	_ =	shalt  }
0x4e: {  	_ =	shalt  }
0x4f: {  	_ =	shalt  }
0x50: {  	_ =	shalt  }
0x51: {  	_ =	shalt  }
0x52: {  	_ =	shalt  }
0x53: {  	_ =	shalt  }
0x54: {  	_ =	shalt  }
0x55: {  	_ =	shalt  }
0x56: {  	_ =	shalt  }
0x57: {  	_ =	shalt  }
0x58: {  	_ =	shalt  }
0x59: {  	_ =	shalt  }
0x5a: {  	_ =	shalt  }
0x5b: {  	_ =	shalt  }
0x5c: {  	_ =	shalt  }
0x5d: {  	_ =	shalt  }
0x5e: {  	_ =	shalt  }
0x5f: {  	_ =	shalt  }
0x60: {  	_ =	shalt  }
0x61: {  	_ =	shalt  }
0x62: {  	_ =	shalt  }
0x63: {  	_ =	shalt  }
0x64: {  	_ =	shalt  }
0x65: {  	_ =	shalt  }
0x66: {  	_ =	shalt  }
0x67: {  	_ =	shalt  }
0x68: {  	_ =	shalt  }
0x69: {  	_ =	shalt  }
0x6a: {  	_ =	shalt  }
0x6b: {  	_ =	shalt  }
0x6c: {  	_ =	shalt  }
0x6d: {  	_ =	shalt  }
0x6e: {  	_ =	shalt  }
0x6f: {  	_ =	shalt  }
0x70: {  	_ =	shalt  }
0x71: {  	_ =	shalt  }
0x72: {  	_ =	shalt  }
0x73: {  	_ =	shalt  }
0x74: {  	_ =	shalt  }
0x75: {  	_ =	shalt  }
0x76: {  	_ =	shalt  }
0x77: {  	_ =	shalt  }
0x78: {  	_ =	shalt  }
0x79: {  	_ =	shalt  }
0x7a: {  	_ =	shalt  }
0x7b: {  	_ =	shalt  }
0x7c: {  	_ =	shalt  }
0x7d: {  	_ =	shalt  }
0x7e: {  	_ =	shalt  }
0x7f: {  	_ =	shalt  }
0x80: {  	_ =	shalt  }
0x81: {  	_ =	shalt  }
0x82: {  	_ =	shalt  }
0x83: {  	_ =	shalt  }
0x84: {  	_ =	shalt  }
0x85: {  	_ =	shalt  }
0x86: {  	_ =	shalt  }
0x87: {  	_ =	shalt  }
.Lfunc_end0:
.L_simem_size_0:
called_computation_lowered:
.L_overlay_start_0:
0x88: {  	s2 =	sld [smem:$0x3FD9]  }
0x89: {  	s3 =	sld [smem:$0x3FFE];
	_ =	sdelay $0x1  }
0x8a: {  	s1 =	srdreg.scid  }
0x8b: {  	s0 =	sand.u32 $0x1, s1  }
0x8c: {  	s14 =	sshll.u32 s0, $0xA;
	s2 =	sadd.s32 s3, s2  }
0x8d: {  	s2 =	sadd.s32 s2, s14  }
0x8e: {  	[smem:$0x3FAA] =	sst s2  }
0x8f: {  	_ = 	snop  }
0x90: {  	s2 =	sld [smem:$0x3FD0];
	_ =	sdelay $0x2  }
0x91: {  	s4 =	simm.s32 $0xA;
	s5 =	simm.s32 $0x10;
	s15 =	sld [smem:$0x3FC9]  }
0x92: {  	[smem:s5], [sflag:s4] =	dma.local [hbm:s2], $0x1  }
0x93: {  	_ =	swait.eq [sflag:s4], $0x1  }
0x94: {  	[sflag:s4] =	ssyncset.done $0x0  }
0x95: {  	[sflag:s4] =	ssyncadd.s32 $0xFFFFFFFF  }
0x96: {  	s16 =	sld [smem:$0x10];
	(tm) =	ssettm $0x1  }
0x97: {  	s17 =	sld [smem:$0x3FFB];
	_ =	sdelay $0x3  }
0x98: {  	_ =	strace s17  }
0x99: {  	s4 =	sld [smem:$0x3FFC];
	_ =	sdelay $0x3  }
0x9a: {  	_ =	strace s4  }
0x9b: {  	s4 =	sld [smem:$0x3FFD];
	_ =	sdelay $0x3  }
0x9c: {  	_ =	strace s4  }
0x9d: {  	_ =	strace $0x8FFFFFFF  }
0x9e: {  	s18 =	sld [smem:$0x3FDB];
	_ =	sdelay $0x1  }
0x9f: {  	s19 =	simm.s32 $_scs_section_size  }
0xa0: {  	s6 =	simm.s32 $_size__tile_overlayer_lowered;
	s7 =	simm.s32 $_tile_overlayer_lowered  }
0xa1: {  	s22 =	simm.s32 $0x1BFF;
	s21 =	sshll.u32 s7, $0x1;
	s4 =	sadd.s32 s19, s18  }
0xa2: {  	s8 =	simm.s32 $0x0;
	s20 =	sshll.u32 s6, $0x1;
	s6 =	sadd.s32 s21, s4  }
0xa3: {  	[timem:s8], [sflag:s22] =	dma.local [hbm:s6], s20  }
0xa4: {  	_ =	swait.ge [sflag:s22], s20  }
0xa5: {  	s5 =	ssub.s32 $0x0, s20;
	[sflag:s22] =	ssyncset.done $0x0  }
0xa6: {  	[sflag:s22] =	ssyncadd.s32 s5;
	_ =	sdelay $0x1  }
0xa7: {  	s23 =	simm.s32 $0x1B8B  }
0xa8: {  	_ =	swait.ge [sflag:s23], $0x1  }
0xa9: {  	[sflag:s23] =	ssyncset.done $0x0  }
0xaa: {  	s25 =	simm.s32 $0x1B8E;
	s24 =	sld [smem:$0x3FFE];
	[sflag:s23] =	ssyncadd.s32 $0xFFFFFFFF  }
0xab: {  	s26 =	simm.s32 $execute0_lowered;
	[smem:$0x3FD2] =	sst s25  }
0xac: {  	s6 =	sshll.u32 s26, $0x1;
	_ =	strace $0x80000046;
	[dreg:$0x1] =	wrdreg $0xFFFFFFFF  }
0xad: {  	s28 =	simm.s32 $_size_execute0_lowered;
	s4 =	sadd.s32 s4, s6;
	[dreg:$0x0] =	wrdreg $0x0  }
0xae: {  	s6 =	sshll.u32 s28, $0x1;
	[dreg:$0x2] =	wrdreg s4  }
0xaf: {  	[dreg:$0x3] =	wrdreg s6  }
0xb0: {  	[dreg:$0x4] =	wrdreg $0xC0  }
0xb1: {  	_ =	task [dreg:s8], $0x5FFFF  }
0xb2: {  	[dreg:$0x1] =	wrdreg $0xFFFFFFFF  }
0xb3: {  	[dreg:$0x0] =	wrdreg $0x60  }
0xb4: {  	[dreg:$0x2] =	wrdreg s15  }
0xb5: {  	[dreg:$0x3] =	wrdreg s24  }
0xb6: {  	[dreg:$0x4] =	wrdreg s16  }
0xb7: {  	[dreg:$0x5] =	wrdreg $0x15A400  }
0xb8: {  	[dreg:$0x6] =	wrdreg $0xBE000  }
0xb9: {  	[dreg:$0x7] =	wrdreg $0x9  }
0xba: {  	_ =	task.clear_ibuf [dreg:s8], $0x8FFFF;
	_ =	strace $0x90000046  }
0xbb: {  	s29 =	simm.s32 $0x9;
	_ =	strace $0x80000048  }
0xbc: {  	_ =	swait.ge [sflag:s29], $0x1  }
0xbd: {  	[sflag:s29] =	ssyncadd.s32 $0xFFFFFFFF  }
0xbe: {  	_ =	strace $0x90000048  }
0xbf: {  	_ =	sfence  }
0xc0: {  	s30 =	sld [smem:$0x0];
	_ =	sdelay $0x2  }
0xc1: {  	s31 =	sshll.u32 s1, $0xD;
	s1 =	sshrl.u32 s1, $0x2  }
0xc2: {  	s3 =	sand.u32 $0x4000, s31;
	s1 =	sadd.s32 s1, s30  }
0xc3: {  	s0 =	sor.u32 s3, s0;
	s1 =	sshll.u32 s1, $0x11  }
0xc4: {  	s0 =	sor.u32 s1, s0  }
0xc5: {  	s0 =	sadd.s32 $0x8F2B, s0  }
0xc6: {  	[sflag:s0] =	ssyncadd.remote.s32 $0x1  }
0xc7: {  	_ =	sfence.sel $0xFFFF  }
0xc8: {  	[dreg:$0x0] =	wrdreg $0xFFFFFFFF;
	(pc) =	sbr.abs _section_cstart, $3  }
0xc9: {  	[dreg:$0x1] =	wrdreg $0xFFFFFFFF  }
0xca: {  	_ =	task.clear_ibuf [dreg:s8], $0x2FFFF;
	_ =	strace $0x9FFFFFFF  }
0xcb: {  	(tm) =	ssettm $0x7FFFFFFF  }
tec
execute0_lowered:
.L_overlay_start_1:
0x0: {  	(tag) =	ssettag $0x1  }
0x1: {  	s7 =	rddreg [dreg:$0x0]  }
0x2: {  	s6 =	rddreg [dreg:$0x1]  }
0x3: {  	s1 =	rddreg [dreg:$0x2]  }
0x4: {  	s3 =	rddreg [dreg:$0x3];
	s0 =	stileid.u32  }
0x5: {  	s2 =	srdreg.scid;
	s4 =	rddreg [dreg:$0x4]  }
0x6: {  	s5 =	simm.s32 $0x0;
	s16 =	simm.s32 $0x10;
	s9 =	smul.u32 $0x9E00, s0  }
0x7: {  	s17 =	simm.s32 $0x4F00;
	s18 =	simm.s32 $0x80;
	s11 =	smul.u32 $0x9E0, s0  }
0x8: {  	s19 =	simm.s32 $0x9E00;
	s20 =	simm.s32 $0x0;
	s13 =	smul.u32 $0x13880, s0  }
0x9: {  	s8 =	sand.u32 $0x1, s2;
	s2 =	rddreg [dreg:$0x5];
	s29 =	smul.u32 $0x27100, s0  }
0xa: {  	[smem:$0x7FF] =	sst s5;
	s30 =	sshll.u32 s0, $0x6;
	s10 =	smul.u32 $0x9E000, s8  }
0xb: {  	_ =	strace $0x80000047;
	s12 =	ssub.s32 $0x2, s8;
	s28 =	sshll.u32 s8, $0x6  }
0xc: {  	s11 =	sadd.s32 s11, s6;
	s26 =	sshrl.u32 s12, $0x1;
	s14 =	sadd.s32 s9, s3  }
0xd: {  	s13 =	sor.u32 s28, s13;
	s8 =	sshrl.u32 s29, $0x2;
	s10 =	sadd.s32 s9, s10  }
0xe: {  	s12 =	ssub.s32 s12, s26;
	s31 =	sshrl.u32 s13, $0x3;
	s15 =	sadd.s32 s8, s4  }
0xf: {  	s8 =	sadd.s32 $0xE400, s11;
	s9 =	sadd.s32 $0x4600, s11;
	s13 =	simm.s32 $0x1  }
0x10: {  	s10 =	sshrl.u32 s10, $0x3;
	s7 =	sadd.s32 s7, s31;
	s11 =	smax.u32 s12, $0x1  }
0x11: {  	s12 =	sshrl.u32 s14, $0x3;
	s14 =	sshrl.u32 s15, $0x3;
	s10 =	sadd.s32 s10, s6  }
0x12: {  	s15 =	simm.s32 $0x8;
	s6 =	sor.u32 $0x1C01, s30;
	s10 =	sadd.s32 $0x18200, s10  }
.LBB2_1:
0x13: {  	[spmem:s12], [sflag:s6] =	dma.local [hbm:s1], $0x13C0  }
0x14: {  	_ =	swait.ge [sflag:s13], $0x13C0  }
0x15: {  	[sflag:s13] =	ssyncset.done $0x0  }
0x16: {  	[sflag:s13] =	ssyncadd.s32 $0xFFFFEC40  }
0x17: {  	[spmem:s14@s15], [sflag:s6] =	dma.strided [hbm:s7@s16], $0x1388, s13, $0x8   }
0x18: {  	_ =	swait.ge [sflag:s13], $0x1388  }
0x19: {  	[sflag:s13] =	ssyncset.done $0x0  }
0x1a: {  	[sflag:s13] =	ssyncadd.s32 $0xFFFFEC78  }
0x1b: {  	[tilespmem:s5], [sflag:$0x1] =	stream.linear.gather [hbm4b:s8+s5], $0x4F00, $0x38;
	[tilespmem:$0x1F840] =	vst v63  }
0x1c: {  	_ =	swait.ge [sflag:s13], $0x4F00  }
0x1d: {  	[sflag:s13] =	ssyncset.done $0x0  }
0x1e: {  	[sflag:s13] =	ssyncadd.s32 $0xFFFFB100  }
0x1f: {  	[tilespmem:s17], [sflag:$0x1] =	stream.linear.gather [hbm4b:s9+s5], $0x4F00, $0x38;
	[tilespmem:$0x1F840] =	vst v63  }
0x20: {  	_ =	swait.ge [sflag:s13], $0x4F00  }
0x21: {  	[sflag:s13] =	ssyncset.done $0x0  }
0x22: {  	[sflag:s13] =	ssyncadd.s32 $0xFFFFB100  }
0x23: {  	s21 =	simm.s32 $0x0;
	[bflag:$0x0] =	sbarrier.arrive $0xFFFF  }
0x24: {  	[tilespmem:s19], [sflag:$0x1] =	stream.indirect.gather [spmem:s4], $0x40, s21, s18, $0xb8;
	[tilespmem:$0x1F840] =	vst v63  }
0x25: {  	_ =	swait.ge [sflag:s13], $0x2000  }
0x26: {  	[sflag:s13] =	ssyncset.done $0x0  }
0x27: {  	s31 =	simm.s32 $0x4F00;
	[sflag:s13] =	ssyncadd.s32 $0xFFFFE000  }
0x28: {  	[spmem:s3] =	stream.indirect.scatter.add.f32 [tilespmem:s19], [sflag:$0x1], $0x40, s31, s18, $0xb8;
	[tilespmem:$0x1F840] =	vst v63  }
0x29: {  	_ =	swait.ge [sflag:s13], $0x2000  }
0x2a: {  	s22 =	simm.s32 $0x400;
	s21 =	simm.s32 $0x200;
	[sflag:s13] =	ssyncset.done $0x0  }
.LBB2_2:
0x2b: {  	s23 =	sshra.s32 s21, $0x2  }
0x2c: {  	[sflag:s13] =	ssyncadd.s32 $0xFFFFE000;
	s21 =	smov.u32 s22;
	s24 =	sadd.s32 $0x200, s22  }
0x2d: {  	[tilespmem:s19], [sflag:$0x1] =	stream.indirect.gather [spmem:s4], $0x40, s23, s18, $0xb8;
	[tilespmem:$0x1F840] =	vst v63  }
0x2e: {  	p0 =	sne.s32 s22, $0x13A00;
	_ =	swait.ge [sflag:s13], $0x2000  }
.Ltmp0:
0x2f: {  	[sflag:s13] =	ssyncset.done $0x0;
	(pc) =	sbr.rel @p0 .LBB2_2-.Ltmp0, $4  }
0x30: {  	s22 =	sadd.s32 $0x4F00, s23;
	[sflag:s13] =	ssyncadd.s32 $0xFFFFE000  }
0x31: {  	[spmem:s3] =	stream.indirect.scatter.add.f32 [tilespmem:s19], [sflag:$0x1], $0x40, s22, s18, $0xb8;
	[tilespmem:$0x1F840] =	vst v63  }
0x32: {  	_ =	swait.ge [sflag:s13], $0x2000  }
0x33: {  	s22 =	smov.u32 s24;
	[sflag:s13] =	ssyncset.done $0x0  }
0x34: {  	s21 =	sshra.s32 s21, $0x2;
	[sflag:s13] =	ssyncadd.s32 $0xFFFFE000  }
0x35: {  	[tilespmem:s19], [sflag:$0x1] =	stream.indirect.gather [spmem:s4], $0x40, s21, s18, $0xb8;
	[tilespmem:$0x1F840] =	vst v63  }
0x36: {  	_ =	swait.ge [sflag:s13], $0x2000  }
0x37: {  	[sflag:s13] =	ssyncset.done $0x0  }
0x38: {  	s21 =	sadd.s32 $0x4F00, s21;
	[sflag:s13] =	ssyncadd.s32 $0xFFFFE000  }
0x39: {  	[spmem:s3] =	stream.indirect.scatter.add.f32 [tilespmem:s19], [sflag:$0x1], $0x40, s21, s18, $0xb8;
	[tilespmem:$0x1F840] =	vst v63  }
0x3a: {  	_ =	swait.ge [sflag:s13], $0x2000  }
0x3b: {  	s20 =	sadd.s32 $0x1, s20;
	[sflag:s13] =	ssyncset.done $0x0  }
0x3c: {  	p0 =	sne.s32 s20, s11;
	[sflag:s13] =	ssyncadd.s32 $0xFFFFE000  }
.Ltmp1:
0x3d: {  	[bflag:$0x0] =	sbarrier.arrive $0xFFFF;
	(pc) =	sbr.rel @p0 .LBB2_1-.Ltmp1, $4  }
0x3e: {  	[hbm:s10], [sflag:s6] =	dma.local [spmem:s12], $0x13C0  }
0x3f: {  	_ =	swait.ge [sflag:s13], $0x13C0  }
0x40: {  	[sflag:s13] =	ssyncset.done $0x0  }
0x41: {  	[sflag:s13] =	ssyncadd.s32 $0xFFFFEC40  }
0x42: {  	_ =	sfence.sel $0x180000  }
0x43: {  	[bflag:$0x0] =	sbarrier.arrive $0xFFFF  }
0x44: {  	p0 =	sne.s32 s0, $0x0;
	_ =	strace $0x90000047  }
0x45: {  	s0 =	sadd.s32 @!p0 $0x100000, s2;
	[bflag:$0x2] =	sbarrier.arrive $0xFFFF  }
0x46: {  	[sflag:s0] =	ssyncadd.tile.s32 @!p0 $0x1;
	_ =	shalt  }
.Lfunc_end2:
_tile_overlayer_lowered:
.L_overlay_start_2:
0x47: {  	(tag) =	ssettag $0x2  }
0x48: {  	s0 =	rddreg [dreg:$0x0];
	s2 =	stileid.u32  }
0x49: {  	s1 =	rddreg [dreg:$0x1];
	p0 =	sne.s32 s2, $0x0  }
0x4a: {  	s3 =	rddreg [dreg:$0x2];
	[bflag:$0x3] =	sbarrier.arrive $0xFFFF;
	s2 =	simm.s32 @!p0 $0x1C01  }
0x4b: {  	[timem:s3], [sflag:s2] =	dma.local @!p0 [hbm:s0], s1  }
0x4c: {  	s0 =	simm.s32 @!p0 $0x1  }
0x4d: {  	_ =	swait.ge @!p0 [sflag:s0], s1  }
0x4e: {  	s1 =	ssub.s32 @!p0 $0x0, s1;
	[sflag:s0] =	ssyncset.done @!p0 $0x0  }
0x4f: {  	[sflag:s0] =	ssyncadd.s32 @!p0 s1  }
0x50: {  	[bflag:$0x3] =	sbarrier.arrive $0xFFFF  }
0x51: {  	_ =	shalt  }

</sc_bundles>
